<compile_context>
chip_gen: v7x
topology: tpu7x:2x2x1
jax: 0.10.2.dev20260603
libtpu: 0.0.44.dev20260713+nightly
codegen_flags: <defaults>
</compile_context>

<pallas_src>
import functools

import jax
import jax.numpy as jnp
from jax import lax
from jax.experimental import pallas as pl
from jax.experimental.pallas import tpu as pltpu
from jax.experimental.pallas import tpu_sc as plsc

D_MODEL = 768
HIDDEN = 3072
NUM_EXPERTS = 16
NT = 2048
NT_PAD = 2560
LOAD_BALANCE_COEF = 0.01

RBLK = 256
SWIDTH = 128
SLAB = 256
GMAX = 24
_SQRT_HALF = 0.7071067811865476


def _router_body(x_ref, gw_ref, p_ref, scoreb_ref, counts_ref,
                 psum_ref, sel_scr, rank_scr, score_scr, runc, pacc):
    t = pl.program_id(0)
    nb = NT // RBLK

    @pl.when(t == 0)
    def _():
        runc[...] = jnp.zeros_like(runc)
        pacc[...] = jnp.zeros_like(pacc)

    @pl.when(t < nb)
    def _():
        xb = x_ref[...]
        gw = gw_ref[...]
        logits = jnp.dot(xb, gw, preferred_element_type=jnp.float32)
        m = jnp.max(logits, axis=1, keepdims=True)
        ex = jnp.exp(logits - m)
        s = jnp.sum(ex, axis=1, keepdims=True)
        prob = ex / s
        mp = jnp.max(prob, axis=1, keepdims=True)
        eidx = lax.broadcasted_iota(jnp.int32, (RBLK, NUM_EXPERTS), 1)
        sel = jnp.min(jnp.where(prob == mp, eidx, NUM_EXPERTS), axis=1)
        onehot = (eidx == sel[:, None]).astype(jnp.float32)
        r = lax.broadcasted_iota(jnp.int32, (RBLK, RBLK), 0)
        c = lax.broadcasted_iota(jnp.int32, (RBLK, RBLK), 1)
        tri = (r >= c).astype(jnp.float32)
        inc = jnp.dot(tri, onehot, preferred_element_type=jnp.float32)
        rank = jnp.sum(onehot * (runc[...] + inc), axis=1) - 1.0
        runc[...] = runc[...] + jnp.sum(onehot, axis=0, keepdims=True)
        pacc[...] = pacc[...] + jnp.sum(prob, axis=0, keepdims=True)
        sel_scr[pl.ds(t, 1), :] = sel[None, :]
        rank_scr[pl.ds(t, 1), :] = rank[None, :]
        score_scr[pl.ds(t, 1), :] = mp[:, 0][None, :]

    @pl.when(t == nb)
    def _():
        counts_ref[...] = runc[...]
        psum_ref[...] = pacc[...]
        cnt = runc[...]
        cp = jnp.floor((cnt + 7.0) / 8.0) * 8.0
        ii = lax.broadcasted_iota(jnp.int32, (NUM_EXPERTS, NUM_EXPERTS), 0)
        jj = lax.broadcasted_iota(jnp.int32, (NUM_EXPERTS, NUM_EXPERTS), 1)
        offm = jnp.where(jj < ii, jnp.broadcast_to(cp, ii.shape), 0.0)
        off = jnp.sum(offm, axis=1)
        sel_all = sel_scr[...]
        eidx3 = lax.broadcasted_iota(jnp.int32, (nb, RBLK, NUM_EXPERTS), 2)
        oh3 = (sel_all[:, :, None] == eidx3).astype(jnp.float32)
        offsel = jnp.sum(oh3 * off[None, None, :], axis=2)
        p_all = (offsel + rank_scr[...]).astype(jnp.int32)
        p_ref[...] = p_all[:, None, :]
        scoreb_ref[...] = jnp.broadcast_to(
            score_scr[...][:, :, None], (nb, RBLK, SWIDTH))


def _router(x2, gate_W):
    nb = NT // RBLK
    return pl.pallas_call(
        _router_body,
        grid=(nb + 1,),
        in_specs=[
            pl.BlockSpec((RBLK, D_MODEL), lambda t: (jnp.minimum(t, 7), 0)),
            pl.BlockSpec((D_MODEL, NUM_EXPERTS), lambda t: (0, 0)),
        ],
        out_specs=[
            pl.BlockSpec((nb, 1, RBLK), lambda t: (0, 0, 0)),
            pl.BlockSpec((nb, RBLK, SWIDTH), lambda t: (0, 0, 0)),
            pl.BlockSpec((1, NUM_EXPERTS), lambda t: (0, 0)),
            pl.BlockSpec((1, NUM_EXPERTS), lambda t: (0, 0)),
        ],
        out_shape=[
            jax.ShapeDtypeStruct((nb, 1, RBLK), jnp.int32),
            jax.ShapeDtypeStruct((nb, RBLK, SWIDTH), jnp.float32),
            jax.ShapeDtypeStruct((1, NUM_EXPERTS), jnp.float32),
            jax.ShapeDtypeStruct((1, NUM_EXPERTS), jnp.float32),
        ],
        scratch_shapes=[
            pltpu.VMEM((nb, RBLK), jnp.int32),
            pltpu.VMEM((nb, RBLK), jnp.float32),
            pltpu.VMEM((nb, RBLK), jnp.float32),
            pltpu.VMEM((1, NUM_EXPERTS), jnp.float32),
            pltpu.VMEM((1, NUM_EXPERTS), jnp.float32),
        ],
        compiler_params=pltpu.CompilerParams(
            dimension_semantics=("arbitrary",)),
    )(x2, gate_W)


def _ffn_body(ex_ref, st_ref, en_ref, xg_ref, ss_ref, w1_ref, b1_ref,
              w2_ref, b2_ref, out_ref):
    g = pl.program_id(0)
    start = pl.multiple_of(st_ref[g], 8)
    end = en_ref[g]

    @pl.when(start < end)
    def _():
        x = xg_ref[pl.ds(start, SLAB), :]
        h = jnp.dot(x, w1_ref[0], preferred_element_type=jnp.float32)
        h = h + b1_ref[0]
        h = 0.5 * h * (1.0 + lax.erf(h * _SQRT_HALF))
        y = jnp.dot(h, w2_ref[0], preferred_element_type=jnp.float32)
        y = y + b2_ref[0]
        y = y * ss_ref[pl.ds(start, SLAB), 0:1]
        rows = lax.broadcasted_iota(jnp.int32, (SLAB, 1), 0) + start
        mask = rows < end
        out_ref[pl.ds(start, SLAB), :] = jnp.where(
            mask, y, out_ref[pl.ds(start, SLAB), :])


def _grouped_ffn(experts_g, starts_g, ends_g, xg, ss, W1, b1, W2, b2):
    grid_spec = pltpu.PrefetchScalarGridSpec(
        num_scalar_prefetch=3,
        grid=(GMAX,),
        in_specs=[
            pl.BlockSpec((NT_PAD, D_MODEL), lambda g, ex, st, en: (0, 0)),
            pl.BlockSpec((NT_PAD, SWIDTH), lambda g, ex, st, en: (0, 0)),
            pl.BlockSpec((1, D_MODEL, HIDDEN),
                         lambda g, ex, st, en: (ex[g], 0, 0)),
            pl.BlockSpec((1, 1, HIDDEN), lambda g, ex, st, en: (ex[g], 0, 0)),
            pl.BlockSpec((1, HIDDEN, D_MODEL),
                         lambda g, ex, st, en: (ex[g], 0, 0)),
            pl.BlockSpec((1, 1, D_MODEL), lambda g, ex, st, en: (ex[g], 0, 0)),
        ],
        out_specs=pl.BlockSpec((NT_PAD, D_MODEL), lambda g, ex, st, en: (0, 0)),
    )
    return pl.pallas_call(
        _ffn_body,
        grid_spec=grid_spec,
        out_shape=jax.ShapeDtypeStruct((NT_PAD, D_MODEL), jnp.float32),
        compiler_params=pltpu.CompilerParams(
            dimension_semantics=("arbitrary",),
            vmem_limit_bytes=128 * 1024 * 1024),
    )(experts_g, starts_g, ends_g, xg, ss,
      W1, b1.reshape(NUM_EXPERTS, 1, HIDDEN), W2,
      b2.reshape(NUM_EXPERTS, 1, D_MODEL))


_NW = 32
_CHUNK = NT // _NW


def _sc_wid():
    return lax.axis_index("s") * 2 + lax.axis_index("c")


@functools.cache
def _sc_kernels():
    mesh = plsc.VectorSubcoreMesh(core_axis_name="c", subcore_axis_name="s")

    @functools.partial(
        pl.kernel, mesh=mesh,
        out_type=[
            jax.ShapeDtypeStruct((NT_PAD, D_MODEL), jnp.float32),
            jax.ShapeDtypeStruct((NT_PAD, SWIDTH), jnp.float32),
        ],
        scratch_types=[
            pltpu.VMEM((_CHUNK,), jnp.int32),
            pltpu.VMEM((_CHUNK, D_MODEL), jnp.float32),
            pltpu.VMEM((_CHUNK, SWIDTH), jnp.float32),
            pltpu.SemaphoreType.DMA,
            pltpu.SemaphoreType.DMA,
        ],
    )
    def sc_dispatch(x_hbm, p_hbm, sc16_hbm, xg_hbm, ss_hbm,
                    idx_v, rows_v, s16_v, sem, sem2):
        base = _sc_wid() * _CHUNK
        pltpu.sync_copy(p_hbm.at[pl.ds(base, _CHUNK)], idx_v)
        pltpu.sync_copy(x_hbm.at[pl.ds(base, _CHUNK)], rows_v)
        pltpu.sync_copy(sc16_hbm.at[pl.ds(base, _CHUNK)], s16_v)
        cp1 = pltpu.async_copy(rows_v, xg_hbm.at[idx_v], sem)
        cp2 = pltpu.async_copy(s16_v, ss_hbm.at[idx_v], sem2)
        cp1.wait()
        cp2.wait()

    @functools.partial(
        pl.kernel, mesh=mesh,
        out_type=jax.ShapeDtypeStruct((NT, D_MODEL), jnp.float32),
        scratch_types=[
            pltpu.VMEM((_CHUNK,), jnp.int32),
            pltpu.VMEM((_CHUNK, D_MODEL), jnp.float32),
            pltpu.SemaphoreType.DMA,
        ],
    )
    def sc_unsort(yg_hbm, p_hbm, out_hbm, idx_v, rows_v, sem):
        base = _sc_wid() * _CHUNK
        pltpu.sync_copy(p_hbm.at[pl.ds(base, _CHUNK)], idx_v)
        pltpu.async_copy(yg_hbm.at[idx_v], rows_v, sem).wait()
        pltpu.sync_copy(rows_v, out_hbm.at[pl.ds(base, _CHUNK)])

    return sc_dispatch, sc_unsort


def kernel(x, gate_W, W1, b1, W2, b2):
    x2 = x.reshape(NT, D_MODEL)
    p3, scoreb, counts2, psum2 = _router(x2, gate_W)
    p = p3.reshape(NT)
    score16 = scoreb.reshape(NT, SWIDTH)
    counts = counts2[0]
    psum = psum2[0]

    c = counts.astype(jnp.int32)
    cpad = (c + 7) // 8 * 8
    offp = jnp.concatenate(
        [jnp.zeros((1,), jnp.int32), jnp.cumsum(cpad)[:-1]])

    n_e = (c + (SLAB - 1)) // SLAB
    cn = jnp.cumsum(n_e)
    j = jnp.arange(GMAX, dtype=jnp.int32)
    e_j = jnp.minimum(
        jnp.searchsorted(cn, j, side="right").astype(jnp.int32),
        NUM_EXPERTS - 1)
    k_j = j - (cn[e_j] - n_e[e_j])
    valid = j < cn[NUM_EXPERTS - 1]
    starts_g = jnp.where(valid, offp[e_j] + SLAB * k_j, 0)
    ends_g = jnp.where(valid, offp[e_j] + c[e_j], 0)
    experts_g = jnp.where(valid, e_j, NUM_EXPERTS - 1)

    sc_dispatch, sc_unsort = _sc_kernels()
    xg, ss16 = sc_dispatch(x2, p, score16)
    yg = _grouped_ffn(experts_g, starts_g, ends_g, xg, ss16, W1, b1, W2, b2)
    out = sc_unsort(yg, p)

    f = counts / NT
    P = psum / NT
    aux_loss = LOAD_BALANCE_COEF * (NUM_EXPERTS * jnp.sum(f * P))
    return out.reshape(1, NT, D_MODEL), aux_loss

# --- scband reference (transcript-rebuilt; emitter-appended) ---
"""Pipeline reference for scband-switch-moe-37503654429110 (READ-ONLY COPY).

The authoritative reference and input builder live on the scoring server;
editing this copy changes nothing except your own understanding.
"""

import jax, jax.numpy as jnp
import numpy as np

D_MODEL = 768
HIDDEN = 3072
NUM_EXPERTS = 16
LOAD_BALANCE_COEF = 0.01


def setup_inputs(seed: int = 0) -> dict:
    key = jax.random.key(seed)
    ks = jax.random.split(key, 6)
    x = jax.random.normal(ks[0], (1, 2048, D_MODEL), dtype=jnp.float32)
    gate_W = jax.random.normal(ks[1], (D_MODEL, NUM_EXPERTS), dtype=jnp.float32) * 0.02
    W1 = jax.random.normal(ks[2], (NUM_EXPERTS, D_MODEL, HIDDEN), dtype=jnp.float32) * 0.02
    b1 = jnp.zeros((NUM_EXPERTS, HIDDEN), dtype=jnp.float32)
    W2 = jax.random.normal(ks[3], (NUM_EXPERTS, HIDDEN, D_MODEL), dtype=jnp.float32) * 0.02
    b2 = jnp.zeros((NUM_EXPERTS, D_MODEL), dtype=jnp.float32)
    return {"x": x, "gate_W": gate_W, "W1": W1, "b1": b1, "W2": W2, "b2": b2}


def reference(x, gate_W, W1, b1, W2, b2):
    B, N, D = x.shape
    E = gate_W.shape[1]
    gate_logits = x @ gate_W                      # (B, N, E)
    router_prob = jax.nn.softmax(gate_logits, axis=-1)
    gate_scores = jnp.max(router_prob, axis=-1)   # (B, N)
    selected_experts = jnp.argmax(router_prob, axis=-1)  # (B, N)

    # load-balance aux loss
    sel_flat = selected_experts.reshape(-1)
    expert_counts = jnp.bincount(sel_flat, length=E).astype(jnp.float32)
    f = expert_counts / (B * N)
    P = router_prob.mean(axis=(0, 1))
    aux_loss = LOAD_BALANCE_COEF * (E * jnp.sum(f * P))

    # dispatch tokens to their top-1 expert (fixed-shape masked dispatch)
    x_flat = x.reshape(-1, D)
    scores_flat = gate_scores.reshape(-1)
    out_flat = jnp.zeros_like(x_flat)
    for i in range(E):
        mask = (sel_flat == i)
        h = jax.nn.gelu(x_flat @ W1[i] + b1[i], approximate=False)
        y = h @ W2[i] + b2[i]
        contrib = y * scores_flat[:, None]
        out_flat = out_flat + jnp.where(mask[:, None], contrib, 0.0)
    output = out_flat.reshape(B, N, D)
    return output, aux_loss

if __name__ == "__main__":
    import jax
    _d = setup_inputs()
    print(jax.jit(kernel)(*tuple(_d.values())))

</pallas_src>

<mosaic_0001>
#map = affine_map<(d0, d1) -> (0, 0)>
#map1 = affine_map<(d0, d1) -> (0)>
module attributes {stable_mosaic.version = 14 : i64} {
  func.func @sc_unsort(%arg0: i32, %arg1: i32, %arg2: memref<2560x768xf32, #tpu.memory_space<hbm>>, %arg3: memref<2048xi32, #tpu.memory_space<hbm>>, %arg4: memref<2048x768xf32, #tpu.memory_space<hbm>>, %arg5: memref<64xi32, #tpu.memory_space<vmem>>, %arg6: memref<64x768xf32, #tpu.memory_space<vmem>>, %arg7: memref<!tpu.dma_semaphore, #tpu.memory_space<semaphore_mem>>) attributes {dimension_semantics = [#tpu.dimension_semantics<core_parallel>, #tpu.dimension_semantics<subcore_parallel>], iteration_bounds = array<i64: 2, 16>, scalar_prefetch = 0 : i64, scratch_operands = 3 : i64, tpu.core_type = #tpu.core_type<sc_vector_subcore>, window_params = [{transform_indices = #map}, {transform_indices = #map1}, {transform_indices = #map}]} {
    %mul3A = arith.constant 2 : i32
    %mul3A_0 = arith.muli %arg1, %mul3A : i32
    %add3A = arith.addi %mul3A_0, %arg0 : i32
    %mul3A_1 = arith.constant 64 : i32
    %mul3A_2 = arith.muli %add3A, %mul3A_1 : i32
    "tpu.region"() ({
      %run_scoped3A = tpu.sem_alloc : memref<!tpu.dma_semaphore, #tpu.memory_space<semaphore_mem>>
      %dma_start3A_7 = tpu.memref_slice %arg3[%mul3A_2] : memref<2048xi32, #tpu.memory_space<hbm>> -> memref<64xi32, #tpu.memory_space<hbm>>
      %dma_start3A_8 = tpu.memref_slice %arg3[%mul3A_2] : memref<2048xi32, #tpu.memory_space<hbm>> -> memref<64xi32, #tpu.memory_space<hbm>>
      tpu.enqueue_dma source(%dma_start3A_8 : memref<64xi32, #tpu.memory_space<hbm>>) target(%arg5 : memref<64xi32, #tpu.memory_space<vmem>>) target_semaphore(%run_scoped3A : memref<!tpu.dma_semaphore, #tpu.memory_space<semaphore_mem>>)
      %dma_wait3A_9 = tpu.memref_slice %arg3[%mul3A_2] : memref<2048xi32, #tpu.memory_space<hbm>> -> memref<64xi32, #tpu.memory_space<hbm>>
      %dma_wait3A_10 = tpu.memref_slice %arg3[%mul3A_2] : memref<2048xi32, #tpu.memory_space<hbm>> -> memref<64xi32, #tpu.memory_space<hbm>>
      tpu.wait_dma2 semaphore(%run_scoped3A : memref<!tpu.dma_semaphore, #tpu.memory_space<semaphore_mem>>) src(%dma_wait3A_10 : memref<64xi32, #tpu.memory_space<hbm>>) dst(%arg5 : memref<64xi32, #tpu.memory_space<vmem>>)
      tpu.yield
    }) : () -> ()
    %dma_start3A = arith.constant 0 : i32
    %dma_start3A_3 = arith.constant 0 : i32
    %dma_start3A_4 = tpu.memref_slice %arg2[%dma_start3A, %dma_start3A_3] : memref<2560x768xf32, #tpu.memory_space<hbm>> -> memref<2560x768xf32, #tpu.memory_space<hbm>>
    tpu.enqueue_indirect_dma source(%dma_start3A_4 : memref<2560x768xf32, #tpu.memory_space<hbm>>) target(%arg6 : memref<64x768xf32, #tpu.memory_space<vmem>>) offsets(%arg5 : memref<64xi32, #tpu.memory_space<vmem>>) semaphore(%arg7 : memref<!tpu.dma_semaphore, #tpu.memory_space<semaphore_mem>>)
    %dma_wait3A = arith.constant 0 : i32
    %dma_wait3A_5 = arith.constant 0 : i32
    %dma_wait3A_6 = tpu.memref_slice %arg2[%dma_wait3A, %dma_wait3A_5] : memref<2560x768xf32, #tpu.memory_space<hbm>> -> memref<2560x768xf32, #tpu.memory_space<hbm>>
    tpu.wait_indirect_dma semaphore(%arg7 : memref<!tpu.dma_semaphore, #tpu.memory_space<semaphore_mem>>) src(%dma_wait3A_6 : memref<2560x768xf32, #tpu.memory_space<hbm>>) dst(%arg6 : memref<64x768xf32, #tpu.memory_space<vmem>>)
    "tpu.region"() ({
      %run_scoped3A = tpu.sem_alloc : memref<!tpu.dma_semaphore, #tpu.memory_space<semaphore_mem>>
      %dma_start3A_7 = arith.constant 0 : i32
      %dma_start3A_8 = tpu.memref_slice %arg4[%mul3A_2, %dma_start3A_7] : memref<2048x768xf32, #tpu.memory_space<hbm>> -> memref<64x768xf32, #tpu.memory_space<hbm>>
      %dma_start3A_9 = arith.constant 0 : i32
      %dma_start3A_10 = tpu.memref_slice %arg4[%mul3A_2, %dma_start3A_9] : memref<2048x768xf32, #tpu.memory_space<hbm>> -> memref<64x768xf32, #tpu.memory_space<hbm>>
      tpu.enqueue_dma source(%arg6 : memref<64x768xf32, #tpu.memory_space<vmem>>) target(%dma_start3A_10 : memref<64x768xf32, #tpu.memory_space<hbm>>) target_semaphore(%run_scoped3A : memref<!tpu.dma_semaphore, #tpu.memory_space<semaphore_mem>>)
      %dma_wait3A_11 = arith.constant 0 : i32
      %dma_wait3A_12 = tpu.memref_slice %arg4[%mul3A_2, %dma_wait3A_11] : memref<2048x768xf32, #tpu.memory_space<hbm>> -> memref<64x768xf32, #tpu.memory_space<hbm>>
      %dma_wait3A_13 = arith.constant 0 : i32
      %dma_wait3A_14 = tpu.memref_slice %arg4[%mul3A_2, %dma_wait3A_13] : memref<2048x768xf32, #tpu.memory_space<hbm>> -> memref<64x768xf32, #tpu.memory_space<hbm>>
      tpu.wait_dma2 semaphore(%run_scoped3A : memref<!tpu.dma_semaphore, #tpu.memory_space<semaphore_mem>>) src(%arg6 : memref<64x768xf32, #tpu.memory_space<vmem>>) dst(%dma_wait3A_14 : memref<64x768xf32, #tpu.memory_space<hbm>>)
      tpu.yield
    }) : () -> ()
    return
  }
}

#map = affine_map<(d0, d1) -> (0, 0)>
#map1 = affine_map<(d0, d1) -> (0)>
module attributes {stable_mosaic.version = 14 : i64} {
  func.func @sc_dispatch(%arg0: i32, %arg1: i32, %arg2: memref<2048x768xf32, #tpu.memory_space<hbm>>, %arg3: memref<2048xi32, #tpu.memory_space<hbm>>, %arg4: memref<2048x128xf32, #tpu.memory_space<hbm>>, %arg5: memref<2560x768xf32, #tpu.memory_space<hbm>>, %arg6: memref<2560x128xf32, #tpu.memory_space<hbm>>, %arg7: memref<64xi32, #tpu.memory_space<vmem>>, %arg8: memref<64x768xf32, #tpu.memory_space<vmem>>, %arg9: memref<64x128xf32, #tpu.memory_space<vmem>>, %arg10: memref<!tpu.dma_semaphore, #tpu.memory_space<semaphore_mem>>, %arg11: memref<!tpu.dma_semaphore, #tpu.memory_space<semaphore_mem>>) attributes {dimension_semantics = [#tpu.dimension_semantics<core_parallel>, #tpu.dimension_semantics<subcore_parallel>], iteration_bounds = array<i64: 2, 16>, scalar_prefetch = 0 : i64, scratch_operands = 5 : i64, tpu.core_type = #tpu.core_type<sc_vector_subcore>, window_params = [{transform_indices = #map}, {transform_indices = #map1}, {transform_indices = #map}, {transform_indices = #map}, {transform_indices = #map}]} {
    %mul3A = arith.constant 2 : i32
    %mul3A_0 = arith.muli %arg1, %mul3A : i32
    %add3A = arith.addi %mul3A_0, %arg0 : i32
    %mul3A_1 = arith.constant 64 : i32
    %mul3A_2 = arith.muli %add3A, %mul3A_1 : i32
    "tpu.region"() ({
      %run_scoped3A = tpu.sem_alloc : memref<!tpu.dma_semaphore, #tpu.memory_space<semaphore_mem>>
      %dma_start3A_13 = tpu.memref_slice %arg3[%mul3A_2] : memref<2048xi32, #tpu.memory_space<hbm>> -> memref<64xi32, #tpu.memory_space<hbm>>
      %dma_start3A_14 = tpu.memref_slice %arg3[%mul3A_2] : memref<2048xi32, #tpu.memory_space<hbm>> -> memref<64xi32, #tpu.memory_space<hbm>>
      tpu.enqueue_dma source(%dma_start3A_14 : memref<64xi32, #tpu.memory_space<hbm>>) target(%arg7 : memref<64xi32, #tpu.memory_space<vmem>>) target_semaphore(%run_scoped3A : memref<!tpu.dma_semaphore, #tpu.memory_space<semaphore_mem>>)
      %dma_wait3A_15 = tpu.memref_slice %arg3[%mul3A_2] : memref<2048xi32, #tpu.memory_space<hbm>> -> memref<64xi32, #tpu.memory_space<hbm>>
      %dma_wait3A_16 = tpu.memref_slice %arg3[%mul3A_2] : memref<2048xi32, #tpu.memory_space<hbm>> -> memref<64xi32, #tpu.memory_space<hbm>>
      tpu.wait_dma2 semaphore(%run_scoped3A : memref<!tpu.dma_semaphore, #tpu.memory_space<semaphore_mem>>) src(%dma_wait3A_16 : memref<64xi32, #tpu.memory_space<hbm>>) dst(%arg7 : memref<64xi32, #tpu.memory_space<vmem>>)
      tpu.yield
    }) : () -> ()
    "tpu.region"() ({
      %run_scoped3A = tpu.sem_alloc : memref<!tpu.dma_semaphore, #tpu.memory_space<semaphore_mem>>
      %dma_start3A_13 = arith.constant 0 : i32
      %dma_start3A_14 = tpu.memref_slice %arg2[%mul3A_2, %dma_start3A_13] : memref<2048x768xf32, #tpu.memory_space<hbm>> -> memref<64x768xf32, #tpu.memory_space<hbm>>
      %dma_start3A_15 = arith.constant 0 : i32
      %dma_start3A_16 = tpu.memref_slice %arg2[%mul3A_2, %dma_start3A_15] : memref<2048x768xf32, #tpu.memory_space<hbm>> -> memref<64x768xf32, #tpu.memory_space<hbm>>
      tpu.enqueue_dma source(%dma_start3A_16 : memref<64x768xf32, #tpu.memory_space<hbm>>) target(%arg8 : memref<64x768xf32, #tpu.memory_space<vmem>>) target_semaphore(%run_scoped3A : memref<!tpu.dma_semaphore, #tpu.memory_space<semaphore_mem>>)
      %dma_wait3A_17 = arith.constant 0 : i32
      %dma_wait3A_18 = tpu.memref_slice %arg2[%mul3A_2, %dma_wait3A_17] : memref<2048x768xf32, #tpu.memory_space<hbm>> -> memref<64x768xf32, #tpu.memory_space<hbm>>
      %dma_wait3A_19 = arith.constant 0 : i32
      %dma_wait3A_20 = tpu.memref_slice %arg2[%mul3A_2, %dma_wait3A_19] : memref<2048x768xf32, #tpu.memory_space<hbm>> -> memref<64x768xf32, #tpu.memory_space<hbm>>
      tpu.wait_dma2 semaphore(%run_scoped3A : memref<!tpu.dma_semaphore, #tpu.memory_space<semaphore_mem>>) src(%dma_wait3A_20 : memref<64x768xf32, #tpu.memory_space<hbm>>) dst(%arg8 : memref<64x768xf32, #tpu.memory_space<vmem>>)
      tpu.yield
    }) : () -> ()
    "tpu.region"() ({
      %run_scoped3A = tpu.sem_alloc : memref<!tpu.dma_semaphore, #tpu.memory_space<semaphore_mem>>
      %dma_start3A_13 = arith.constant 0 : i32
      %dma_start3A_14 = tpu.memref_slice %arg4[%mul3A_2, %dma_start3A_13] : memref<2048x128xf32, #tpu.memory_space<hbm>> -> memref<64x128xf32, #tpu.memory_space<hbm>>
      %dma_start3A_15 = arith.constant 0 : i32
      %dma_start3A_16 = tpu.memref_slice %arg4[%mul3A_2, %dma_start3A_15] : memref<2048x128xf32, #tpu.memory_space<hbm>> -> memref<64x128xf32, #tpu.memory_space<hbm>>
      tpu.enqueue_dma source(%dma_start3A_16 : memref<64x128xf32, #tpu.memory_space<hbm>>) target(%arg9 : memref<64x128xf32, #tpu.memory_space<vmem>>) target_semaphore(%run_scoped3A : memref<!tpu.dma_semaphore, #tpu.memory_space<semaphore_mem>>)
      %dma_wait3A_17 = arith.constant 0 : i32
      %dma_wait3A_18 = tpu.memref_slice %arg4[%mul3A_2, %dma_wait3A_17] : memref<2048x128xf32, #tpu.memory_space<hbm>> -> memref<64x128xf32, #tpu.memory_space<hbm>>
      %dma_wait3A_19 = arith.constant 0 : i32
      %dma_wait3A_20 = tpu.memref_slice %arg4[%mul3A_2, %dma_wait3A_19] : memref<2048x128xf32, #tpu.memory_space<hbm>> -> memref<64x128xf32, #tpu.memory_space<hbm>>
      tpu.wait_dma2 semaphore(%run_scoped3A : memref<!tpu.dma_semaphore, #tpu.memory_space<semaphore_mem>>) src(%dma_wait3A_20 : memref<64x128xf32, #tpu.memory_space<hbm>>) dst(%arg9 : memref<64x128xf32, #tpu.memory_space<vmem>>)
      tpu.yield
    }) : () -> ()
    %dma_start3A = arith.constant 0 : i32
    %dma_start3A_3 = arith.constant 0 : i32
    %dma_start3A_4 = tpu.memref_slice %arg5[%dma_start3A, %dma_start3A_3] : memref<2560x768xf32, #tpu.memory_space<hbm>> -> memref<2560x768xf32, #tpu.memory_space<hbm>>
    tpu.enqueue_indirect_dma source(%arg8 : memref<64x768xf32, #tpu.memory_space<vmem>>) target(%dma_start3A_4 : memref<2560x768xf32, #tpu.memory_space<hbm>>) offsets(%arg7 : memref<64xi32, #tpu.memory_space<vmem>>) semaphore(%arg10 : memref<!tpu.dma_semaphore, #tpu.memory_space<semaphore_mem>>)
    %dma_start3A_5 = arith.constant 0 : i32
    %dma_start3A_6 = arith.constant 0 : i32
    %dma_start3A_7 = tpu.memref_slice %arg6[%dma_start3A_5, %dma_start3A_6] : memref<2560x128xf32, #tpu.memory_space<hbm>> -> memref<2560x128xf32, #tpu.memory_space<hbm>>
    tpu.enqueue_indirect_dma source(%arg9 : memref<64x128xf32, #tpu.memory_space<vmem>>) target(%dma_start3A_7 : memref<2560x128xf32, #tpu.memory_space<hbm>>) offsets(%arg7 : memref<64xi32, #tpu.memory_space<vmem>>) semaphore(%arg11 : memref<!tpu.dma_semaphore, #tpu.memory_space<semaphore_mem>>)
    %dma_wait3A = arith.constant 0 : i32
    %dma_wait3A_8 = arith.constant 0 : i32
    %dma_wait3A_9 = tpu.memref_slice %arg5[%dma_wait3A, %dma_wait3A_8] : memref<2560x768xf32, #tpu.memory_space<hbm>> -> memref<2560x768xf32, #tpu.memory_space<hbm>>
    tpu.wait_indirect_dma semaphore(%arg10 : memref<!tpu.dma_semaphore, #tpu.memory_space<semaphore_mem>>) src(%arg8 : memref<64x768xf32, #tpu.memory_space<vmem>>) dst(%dma_wait3A_9 : memref<2560x768xf32, #tpu.memory_space<hbm>>)
    %dma_wait3A_10 = arith.constant 0 : i32
    %dma_wait3A_11 = arith.constant 0 : i32
    %dma_wait3A_12 = tpu.memref_slice %arg6[%dma_wait3A_10, %dma_wait3A_11] : memref<2560x128xf32, #tpu.memory_space<hbm>> -> memref<2560x128xf32, #tpu.memory_space<hbm>>
    tpu.wait_indirect_dma semaphore(%arg11 : memref<!tpu.dma_semaphore, #tpu.memory_space<semaphore_mem>>) src(%arg9 : memref<64x128xf32, #tpu.memory_space<vmem>>) dst(%dma_wait3A_12 : memref<2560x128xf32, #tpu.memory_space<hbm>>)
    return
  }
}

module attributes {stable_mosaic.version = 14 : i64} {
  func.func @_router_body(%arg0: i32, %arg1: memref<256x768xf32, #tpu.memory_space<vmem>>, %arg2: memref<768x16xf32, #tpu.memory_space<vmem>>, %arg3: memref<8x1x256xi32, #tpu.memory_space<vmem>>, %arg4: memref<8x256x128xf32, #tpu.memory_space<vmem>>, %arg5: memref<1x16xf32, #tpu.memory_space<vmem>>, %arg6: memref<1x16xf32, #tpu.memory_space<vmem>>, %arg7: memref<8x256xi32, #tpu.memory_space<vmem>>, %arg8: memref<8x256xf32, #tpu.memory_space<vmem>>, %arg9: memref<8x256xf32, #tpu.memory_space<vmem>>, %arg10: memref<1x16xf32, #tpu.memory_space<vmem>>, %arg11: memref<1x16xf32, #tpu.memory_space<vmem>>) attributes {dimension_semantics = [#tpu.dimension_semantics<arbitrary>], iteration_bounds = array<i64: 9>, scalar_prefetch = 0 : i64, scratch_operands = 5 : i64, tpu.core_type = #tpu.core_type<tc>, window_params = [{transform_indices = @transform_0, window_bounds = array<i64: 256, 768>}, {pipeline_mode = #tpu.pipeline_mode<synchronous>, transform_indices = @transform_1, window_bounds = array<i64: 768, 16>}, {pipeline_mode = #tpu.pipeline_mode<synchronous>, transform_indices = @transform_2, window_bounds = array<i64: 8, 1, 256>}, {pipeline_mode = #tpu.pipeline_mode<synchronous>, transform_indices = @transform_3, window_bounds = array<i64: 8, 256, 128>}, {pipeline_mode = #tpu.pipeline_mode<synchronous>, transform_indices = @transform_4, window_bounds = array<i64: 1, 16>}, {pipeline_mode = #tpu.pipeline_mode<synchronous>, transform_indices = @transform_5, window_bounds = array<i64: 1, 16>}]} {
    %eq3A = arith.constant 0 : i32
    %eq3A_0 = arith.cmpi eq, %arg0, %eq3A : i32
    %convert_element_type3A = arith.extui %eq3A_0 : i1 to i32
    %cond3A = arith.constant 0 : i32
    %cond3A_1 = arith.cmpi ne, %convert_element_type3A, %cond3A : i32
    scf.if %cond3A_1 {
      %broadcast_in_dim3A = arith.constant 0.000000e+00 : f32
      %broadcast_in_dim3A_11 = vector.broadcast %broadcast_in_dim3A : f32 to vector<1x16xf32>
      %swap3A = arith.constant 0 : index
      %swap3A_12 = arith.constant 0 : index
      %swap3A_13 = vector.load %arg10[%swap3A, %swap3A_12] : memref<1x16xf32, #tpu.memory_space<vmem>>, vector<1x16xf32>
      tpu.vector_store %arg10[%swap3A, %swap3A_12], %broadcast_in_dim3A_11 {strides = array<i32>} : memref<1x16xf32, #tpu.memory_space<vmem>>, vector<1x16xf32>,
      %broadcast_in_dim3A_14 = arith.constant 0.000000e+00 : f32
      %broadcast_in_dim3A_15 = vector.broadcast %broadcast_in_dim3A_14 : f32 to vector<1x16xf32>
      %swap3A_16 = arith.constant 0 : index
      %swap3A_17 = arith.constant 0 : index
      %swap3A_18 = vector.load %arg11[%swap3A_16, %swap3A_17] : memref<1x16xf32, #tpu.memory_space<vmem>>, vector<1x16xf32>
      tpu.vector_store %arg11[%swap3A_16, %swap3A_17], %broadcast_in_dim3A_15 {strides = array<i32>} : memref<1x16xf32, #tpu.memory_space<vmem>>, vector<1x16xf32>,
    } else {
    }
    %lt3A = arith.constant 8 : i32
    %lt3A_2 = arith.cmpi slt, %arg0, %lt3A : i32
    %convert_element_type3A_3 = arith.extui %lt3A_2 : i1 to i32
    %cond3A_4 = arith.constant 0 : i32
    %cond3A_5 = arith.cmpi ne, %convert_element_type3A_3, %cond3A_4 : i32
    scf.if %cond3A_5 {
      %get3A = arith.constant 0 : index
      %get3A_11 = arith.constant 0 : index
      %get3A_12 = vector.load %arg1[%get3A, %get3A_11] : memref<256x768xf32, #tpu.memory_space<vmem>>, vector<256x768xf32>
      %get3A_13 = arith.constant 0 : index
      %get3A_14 = arith.constant 0 : index
      %get3A_15 = vector.load %arg2[%get3A_13, %get3A_14] : memref<768x16xf32, #tpu.memory_space<vmem>>, vector<768x16xf32>
      %dot_general3A = arith.constant dense<0.000000e+00> : vector<256x16xf32>
      %dot_general3A_16 = tpu.matmul %get3A_12, %get3A_15, %dot_general3A {dimension_numbers = #tpu.dot_dimension_numbers<[1], [0], [0], [1], [0, 0, 1, 1], [], []>, transpose_lhs_hint = false} : vector<256x768xf32>, vector<768x16xf32>, vector<256x16xf32> -> vector<256x16xf32>
      %reduce_max3A = arith.constant dense<0xFF800000> : vector<256xf32>
      %reduce_max3A_17 = vector.multi_reduction <maximumf>, %dot_general3A_16, %reduce_max3A [1] : vector<256x16xf32> to vector<256xf32>
      %broadcast_in_dim3A = vector.shape_cast %reduce_max3A_17 : vector<256xf32> to vector<256x1xf32>
      %sub3A = vector.broadcast %broadcast_in_dim3A : vector<256x1xf32> to vector<256x16xf32>
      %sub3A_18 = arith.subf %dot_general3A_16, %sub3A : vector<256x16xf32>
      %exp3A = math.exp %sub3A_18 : vector<256x16xf32>
      %reduce_sum3A = arith.constant dense<0.000000e+00> : vector<256xf32>
      %reduce_sum3A_19 = vector.multi_reduction <add>, %exp3A, %reduce_sum3A [1] : vector<256x16xf32> to vector<256xf32>
      %broadcast_in_dim3A_20 = vector.shape_cast %reduce_sum3A_19 : vector<256xf32> to vector<256x1xf32>
      %div3A = vector.broadcast %broadcast_in_dim3A_20 : vector<256x1xf32> to vector<256x16xf32>
      %div3A_21 = arith.divf %exp3A, %div3A : vector<256x16xf32>
      %reduce_max3A_22 = arith.constant dense<0xFF800000> : vector<256xf32>
      %reduce_max3A_23 = vector.multi_reduction <maximumf>, %div3A_21, %reduce_max3A_22 [1] : vector<256x16xf32> to vector<256xf32>
      %broadcast_in_dim3A_24 = vector.shape_cast %reduce_max3A_23 : vector<256xf32> to vector<256x1xf32>
      %iota3A = tpu.iota {dimensions = array<i32: 1>} : vector<256x16xi32>
      %eq3A_25 = vector.broadcast %broadcast_in_dim3A_24 : vector<256x1xf32> to vector<256x16xf32>
      %eq3A_26 = arith.cmpf oeq, %div3A_21, %eq3A_25 : vector<256x16xf32>
      %jit3A = arith.constant 16 : i32
      %broadcast_in_dim3A_27 = vector.broadcast %jit3A : i32 to vector<256x16xi32>
      %select_n3A = arith.select %eq3A_26, %iota3A, %broadcast_in_dim3A_27 : vector<256x16xi1>, vector<256x16xi32>
      %reduce_min3A = arith.constant dense<2147483647> : vector<256xi32>
      %reduce_min3A_28 = vector.multi_reduction <minsi>, %select_n3A, %reduce_min3A [1] : vector<256x16xi32> to vector<256xi32>
      %broadcast_in_dim3A_29 = vector.shape_cast %reduce_min3A_28 : vector<256xi32> to vector<256x1xi32>
      %eq3A_30 = vector.broadcast %broadcast_in_dim3A_29 : vector<256x1xi32> to vector<256x16xi32>
      %eq3A_31 = arith.cmpi eq, %iota3A, %eq3A_30 : vector<256x16xi32>
      %convert_element_type3A_32 = arith.extui %eq3A_31 : vector<256x16xi1> to vector<256x16xi32>
      %convert_element_type3A_33 = arith.sitofp %convert_element_type3A_32 : vector<256x16xi32> to vector<256x16xf32>
      %iota3A_34 = tpu.iota {dimensions = array<i32: 0>} : vector<256x256xi32>
      %iota3A_35 = tpu.iota {dimensions = array<i32: 1>} : vector<256x256xi32>
      %ge3A = arith.cmpi sge, %iota3A_34, %iota3A_35 : vector<256x256xi32>
      %convert_element_type3A_36 = arith.extui %ge3A : vector<256x256xi1> to vector<256x256xi32>
      %convert_element_type3A_37 = arith.sitofp %convert_element_type3A_36 : vector<256x256xi32> to vector<256x256xf32>
      %dot_general3A_38 = arith.constant dense<0.000000e+00> : vector<256x16xf32>
      %dot_general3A_39 = tpu.matmul %convert_element_type3A_37, %convert_element_type3A_33, %dot_general3A_38 {dimension_numbers = #tpu.dot_dimension_numbers<[1], [0], [0], [1], [0, 0, 1, 1], [], []>, transpose_lhs_hint = false} : vector<256x256xf32>, vector<256x16xf32>, vector<256x16xf32> -> vector<256x16xf32>
      %get3A_40 = arith.constant 0 : index
      %get3A_41 = arith.constant 0 : index
      %get3A_42 = vector.load %arg10[%get3A_40, %get3A_41] : memref<1x16xf32, #tpu.memory_space<vmem>>, vector<1x16xf32>
      %add3A = vector.broadcast %get3A_42 : vector<1x16xf32> to vector<256x16xf32>
      %add3A_43 = arith.addf %add3A, %dot_general3A_39 : vector<256x16xf32>
      %mul3A = arith.mulf %convert_element_type3A_33, %add3A_43 : vector<256x16xf32>
      %reduce_sum3A_44 = arith.constant dense<0.000000e+00> : vector<256xf32>
      %reduce_sum3A_45 = vector.multi_reduction <add>, %mul3A, %reduce_sum3A_44 [1] : vector<256x16xf32> to vector<256xf32>
      %sub3A_46 = arith.constant 1.000000e+00 : f32
      %sub3A_47 = vector.broadcast %sub3A_46 : f32 to vector<256xf32>
      %sub3A_48 = arith.subf %reduce_sum3A_45, %sub3A_47 : vector<256xf32>
      %get3A_49 = arith.constant 0 : index
      %get3A_50 = arith.constant 0 : index
      %get3A_51 = vector.load %arg10[%get3A_49, %get3A_50] : memref<1x16xf32, #tpu.memory_space<vmem>>, vector<1x16xf32>
      %reduce_sum3A_52 = arith.constant dense<0.000000e+00> : vector<16xf32>
      %reduce_sum3A_53 = vector.multi_reduction <add>, %convert_element_type3A_33, %reduce_sum3A_52 [0] : vector<256x16xf32> to vector<16xf32>
      %broadcast_in_dim3A_54 = vector.shape_cast %reduce_sum3A_53 : vector<16xf32> to vector<1x16xf32>
      %add3A_55 = arith.addf %get3A_51, %broadcast_in_dim3A_54 : vector<1x16xf32>
      %swap3A = arith.constant 0 : index
      %swap3A_56 = arith.constant 0 : index
      %swap3A_57 = vector.load %arg10[%swap3A, %swap3A_56] : memref<1x16xf32, #tpu.memory_space<vmem>>, vector<1x16xf32>
      tpu.vector_store %arg10[%swap3A, %swap3A_56], %add3A_55 {strides = array<i32>} : memref<1x16xf32, #tpu.memory_space<vmem>>, vector<1x16xf32>,
      %get3A_58 = arith.constant 0 : index
      %get3A_59 = arith.constant 0 : index
      %get3A_60 = vector.load %arg11[%get3A_58, %get3A_59] : memref<1x16xf32, #tpu.memory_space<vmem>>, vector<1x16xf32>
      %reduce_sum3A_61 = arith.constant dense<0.000000e+00> : vector<16xf32>
      %reduce_sum3A_62 = vector.multi_reduction <add>, %div3A_21, %reduce_sum3A_61 [0] : vector<256x16xf32> to vector<16xf32>
      %broadcast_in_dim3A_63 = vector.shape_cast %reduce_sum3A_62 : vector<16xf32> to vector<1x16xf32>
      %add3A_64 = arith.addf %get3A_60, %broadcast_in_dim3A_63 : vector<1x16xf32>
      %swap3A_65 = arith.constant 0 : index
      %swap3A_66 = arith.constant 0 : index
      %swap3A_67 = vector.load %arg11[%swap3A_65, %swap3A_66] : memref<1x16xf32, #tpu.memory_space<vmem>>, vector<1x16xf32>
      tpu.vector_store %arg11[%swap3A_65, %swap3A_66], %add3A_64 {strides = array<i32>} : memref<1x16xf32, #tpu.memory_space<vmem>>, vector<1x16xf32>,
      %broadcast_in_dim3A_68 = vector.shape_cast %reduce_min3A_28 : vector<256xi32> to vector<1x256xi32>
      %swap3A_69 = arith.index_cast %arg0 : i32 to index
      %swap3A_70 = arith.constant 0 : index
      %swap3A_71 = vector.load %arg7[%swap3A_69, %swap3A_70] : memref<8x256xi32, #tpu.memory_space<vmem>>, vector<1x256xi32>
      tpu.vector_store %arg7[%swap3A_69, %swap3A_70], %broadcast_in_dim3A_68 {strides = array<i32>} : memref<8x256xi32, #tpu.memory_space<vmem>>, vector<1x256xi32>,
      %broadcast_in_dim3A_72 = vector.shape_cast %sub3A_48 : vector<256xf32> to vector<1x256xf32>
      %swap3A_73 = arith.index_cast %arg0 : i32 to index
      %swap3A_74 = arith.constant 0 : index
      %swap3A_75 = vector.load %arg8[%swap3A_73, %swap3A_74] : memref<8x256xf32, #tpu.memory_space<vmem>>, vector<1x256xf32>
      tpu.vector_store %arg8[%swap3A_73, %swap3A_74], %broadcast_in_dim3A_72 {strides = array<i32>} : memref<8x256xf32, #tpu.memory_space<vmem>>, vector<1x256xf32>,
      %squeeze3A = vector.shape_cast %broadcast_in_dim3A_24 : vector<256x1xf32> to vector<256xf32>
      %broadcast_in_dim3A_76 = vector.shape_cast %squeeze3A : vector<256xf32> to vector<1x256xf32>
      %swap3A_77 = arith.index_cast %arg0 : i32 to index
      %swap3A_78 = arith.constant 0 : index
      %swap3A_79 = vector.load %arg9[%swap3A_77, %swap3A_78] : memref<8x256xf32, #tpu.memory_space<vmem>>, vector<1x256xf32>
      tpu.vector_store %arg9[%swap3A_77, %swap3A_78], %broadcast_in_dim3A_76 {strides = array<i32>} : memref<8x256xf32, #tpu.memory_space<vmem>>, vector<1x256xf32>,
    } else {
    }
    %eq3A_6 = arith.constant 8 : i32
    %eq3A_7 = arith.cmpi eq, %arg0, %eq3A_6 : i32
    %convert_element_type3A_8 = arith.extui %eq3A_7 : i1 to i32
    %cond3A_9 = arith.constant 0 : i32
    %cond3A_10 = arith.cmpi ne, %convert_element_type3A_8, %cond3A_9 : i32
    scf.if %cond3A_10 {
      %get3A = arith.constant 0 : index
      %get3A_11 = arith.constant 0 : index
      %get3A_12 = vector.load %arg10[%get3A, %get3A_11] : memref<1x16xf32, #tpu.memory_space<vmem>>, vector<1x16xf32>
      %swap3A = arith.constant 0 : index
      %swap3A_13 = arith.constant 0 : index
      %swap3A_14 = vector.load %arg5[%swap3A, %swap3A_13] : memref<1x16xf32, #tpu.memory_space<vmem>>, vector<1x16xf32>
      tpu.vector_store %arg5[%swap3A, %swap3A_13], %get3A_12 {strides = array<i32>} : memref<1x16xf32, #tpu.memory_space<vmem>>, vector<1x16xf32>,
      %get3A_15 = arith.constant 0 : index
      %get3A_16 = arith.constant 0 : index
      %get3A_17 = vector.load %arg11[%get3A_15, %get3A_16] : memref<1x16xf32, #tpu.memory_space<vmem>>, vector<1x16xf32>
      %swap3A_18 = arith.constant 0 : index
      %swap3A_19 = arith.constant 0 : index
      %swap3A_20 = vector.load %arg6[%swap3A_18, %swap3A_19] : memref<1x16xf32, #tpu.memory_space<vmem>>, vector<1x16xf32>
      tpu.vector_store %arg6[%swap3A_18, %swap3A_19], %get3A_17 {strides = array<i32>} : memref<1x16xf32, #tpu.memory_space<vmem>>, vector<1x16xf32>,
      %get3A_21 = arith.constant 0 : index
      %get3A_22 = arith.constant 0 : index
      %get3A_23 = vector.load %arg10[%get3A_21, %get3A_22] : memref<1x16xf32, #tpu.memory_space<vmem>>, vector<1x16xf32>
      %add3A = arith.constant 7.000000e+00 : f32
      %add3A_24 = vector.broadcast %add3A : f32 to vector<1x16xf32>
      %add3A_25 = arith.addf %get3A_23, %add3A_24 : vector<1x16xf32>
      %div3A = arith.constant 8.000000e+00 : f32
      %div3A_26 = vector.broadcast %div3A : f32 to vector<1x16xf32>
      %div3A_27 = arith.divf %add3A_25, %div3A_26 : vector<1x16xf32>
      %floor3A = math.floor %div3A_27 : vector<1x16xf32>
      %mul3A = arith.constant 8.000000e+00 : f32
      %mul3A_28 = vector.broadcast %mul3A : f32 to vector<1x16xf32>
      %mul3A_29 = arith.mulf %floor3A, %mul3A_28 : vector<1x16xf32>
      %iota3A = tpu.iota {dimensions = array<i32: 0>} : vector<16x16xi32>
      %iota3A_30 = tpu.iota {dimensions = array<i32: 1>} : vector<16x16xi32>
      %lt3A_31 = arith.cmpi slt, %iota3A_30, %iota3A : vector<16x16xi32>
      %broadcast_in_dim3A = vector.shape_cast %mul3A_29 : vector<1x16xf32> to vector<1x16xf32>
      %broadcast_in_dim3A_32 = vector.broadcast %broadcast_in_dim3A : vector<1x16xf32> to vector<16x16xf32>
      %jit3A = arith.constant 0.000000e+00 : f32
      %broadcast_in_dim3A_33 = vector.broadcast %jit3A : f32 to vector<16x16xf32>
      %select_n3A = arith.select %lt3A_31, %broadcast_in_dim3A_32, %broadcast_in_dim3A_33 : vector<16x16xi1>, vector<16x16xf32>
      %reduce_sum3A = arith.constant dense<0.000000e+00> : vector<16xf32>
      %reduce_sum3A_34 = vector.multi_reduction <add>, %select_n3A, %reduce_sum3A [1] : vector<16x16xf32> to vector<16xf32>
      %get3A_35 = arith.constant 0 : index
      %get3A_36 = arith.constant 0 : index
      %get3A_37 = vector.load %arg7[%get3A_35, %get3A_36] : memref<8x256xi32, #tpu.memory_space<vmem>>, vector<8x256xi32>
      %iota3A_38 = tpu.iota {dimensions = array<i32: 2>} : vector<8x256x16xi32>
      %broadcast_in_dim3A_39 = vector.shape_cast %get3A_37 : vector<8x256xi32> to vector<8x256x1xi32>
      %eq3A_40 = vector.broadcast %broadcast_in_dim3A_39 : vector<8x256x1xi32> to vector<8x256x16xi32>
      %eq3A_41 = arith.cmpi eq, %eq3A_40, %iota3A_38 : vector<8x256x16xi32>
      %convert_element_type3A_42 = arith.extui %eq3A_41 : vector<8x256x16xi1> to vector<8x256x16xi32>
      %convert_element_type3A_43 = arith.sitofp %convert_element_type3A_42 : vector<8x256x16xi32> to vector<8x256x16xf32>
      %broadcast_in_dim3A_44 = vector.shape_cast %reduce_sum3A_34 : vector<16xf32> to vector<1x1x16xf32>
      %mul3A_45 = vector.broadcast %broadcast_in_dim3A_44 : vector<1x1x16xf32> to vector<8x256x16xf32>
      %mul3A_46 = arith.mulf %convert_element_type3A_43, %mul3A_45 : vector<8x256x16xf32>
      %reduce_sum3A_47 = arith.constant dense<0.000000e+00> : vector<8x256xf32>
      %reduce_sum3A_48 = vector.multi_reduction <add>, %mul3A_46, %reduce_sum3A_47 [2] : vector<8x256x16xf32> to vector<8x256xf32>
      %get3A_49 = arith.constant 0 : index
      %get3A_50 = arith.constant 0 : index
      %get3A_51 = vector.load %arg8[%get3A_49, %get3A_50] : memref<8x256xf32, #tpu.memory_space<vmem>>, vector<8x256xf32>
      %add3A_52 = arith.addf %reduce_sum3A_48, %get3A_51 : vector<8x256xf32>
      %convert_element_type3A_53 = arith.fptosi %add3A_52 : vector<8x256xf32> to vector<8x256xi32>
      %broadcast_in_dim3A_54 = vector.shape_cast %convert_element_type3A_53 : vector<8x256xi32> to vector<8x1x256xi32>
      %swap3A_55 = arith.constant 0 : index
      %swap3A_56 = arith.constant 0 : index
      %swap3A_57 = arith.constant 0 : index
      %swap3A_58 = vector.load %arg3[%swap3A_55, %swap3A_56, %swap3A_57] : memref<8x1x256xi32, #tpu.memory_space<vmem>>, vector<8x1x256xi32>
      tpu.vector_store %arg3[%swap3A_55, %swap3A_56, %swap3A_57], %broadcast_in_dim3A_54 {strides = array<i32>} : memref<8x1x256xi32, #tpu.memory_space<vmem>>, vector<8x1x256xi32>,
      %get3A_59 = arith.constant 0 : index
      %get3A_60 = arith.constant 0 : index
      %get3A_61 = vector.load %arg9[%get3A_59, %get3A_60] : memref<8x256xf32, #tpu.memory_space<vmem>>, vector<8x256xf32>
      %broadcast_in_dim3A_62 = vector.shape_cast %get3A_61 : vector<8x256xf32> to vector<8x256x1xf32>
      %broadcast_in_dim3A_63 = vector.shape_cast %broadcast_in_dim3A_62 : vector<8x256x1xf32> to vector<8x256x1xf32>
      %broadcast_in_dim3A_64 = vector.broadcast %broadcast_in_dim3A_63 : vector<8x256x1xf32> to vector<8x256x128xf32>
      %swap3A_65 = arith.constant 0 : index
      %swap3A_66 = arith.constant 0 : index
      %swap3A_67 = arith.constant 0 : index
      %swap3A_68 = vector.load %arg4[%swap3A_65, %swap3A_66, %swap3A_67] : memref<8x256x128xf32, #tpu.memory_space<vmem>>, vector<8x256x128xf32>
      tpu.vector_store %arg4[%swap3A_65, %swap3A_66, %swap3A_67], %broadcast_in_dim3A_64 {strides = array<i32>} : memref<8x256x128xf32, #tpu.memory_space<vmem>>, vector<8x256x128xf32>,
    } else {
    }
    return
  }
  func.func @transform_0(%arg0: i32) -> (i32, i32) {
    %min3A = arith.constant 7 : i32
    %min3A_0 = arith.minsi %arg0, %min3A : i32
    %c0_i32 = arith.constant 0 : i32
    %c0_i32_1 = arith.constant 0 : i32
    return %min3A_0, %c0_i32 : i32, i32
  }
  func.func @transform_1(%arg0: i32) -> (i32, i32) {
    %c0_i32 = arith.constant 0 : i32
    %c0_i32_0 = arith.constant 0 : i32
    %c0_i32_1 = arith.constant 0 : i32
    return %c0_i32, %c0_i32_0 : i32, i32
  }
  func.func @transform_2(%arg0: i32) -> (i32, i32, i32) {
    %c0_i32 = arith.constant 0 : i32
    %c0_i32_0 = arith.constant 0 : i32
    %c0_i32_1 = arith.constant 0 : i32
    %c0_i32_2 = arith.constant 0 : i32
    return %c0_i32, %c0_i32_0, %c0_i32_1 : i32, i32, i32
  }
  func.func @transform_3(%arg0: i32) -> (i32, i32, i32) {
    %c0_i32 = arith.constant 0 : i32
    %c0_i32_0 = arith.constant 0 : i32
    %c0_i32_1 = arith.constant 0 : i32
    %c0_i32_2 = arith.constant 0 : i32
    return %c0_i32, %c0_i32_0, %c0_i32_1 : i32, i32, i32
  }
  func.func @transform_4(%arg0: i32) -> (i32, i32) {
    %c0_i32 = arith.constant 0 : i32
    %c0_i32_0 = arith.constant 0 : i32
    %c0_i32_1 = arith.constant 0 : i32
    return %c0_i32, %c0_i32_0 : i32, i32
  }
  func.func @transform_5(%arg0: i32) -> (i32, i32) {
    %c0_i32 = arith.constant 0 : i32
    %c0_i32_0 = arith.constant 0 : i32
    %c0_i32_1 = arith.constant 0 : i32
    return %c0_i32, %c0_i32_0 : i32, i32
  }
}

module attributes {stable_mosaic.version = 14 : i64} {
  func.func @_ffn_body(%arg0: i32, %arg1: memref<24xi32, #tpu.memory_space<smem>>, %arg2: memref<24xi32, #tpu.memory_space<smem>>, %arg3: memref<24xi32, #tpu.memory_space<smem>>, %arg4: memref<2560x768xf32, #tpu.memory_space<vmem>>, %arg5: memref<2560x128xf32, #tpu.memory_space<vmem>>, %arg6: memref<1x768x3072xf32, #tpu.memory_space<vmem>>, %arg7: memref<1x1x3072xf32, #tpu.memory_space<vmem>>, %arg8: memref<1x3072x768xf32, #tpu.memory_space<vmem>>, %arg9: memref<1x1x768xf32, #tpu.memory_space<vmem>>, %arg10: memref<2560x768xf32, #tpu.memory_space<vmem>>) attributes {dimension_semantics = [#tpu.dimension_semantics<arbitrary>], iteration_bounds = array<i64: 24>, scalar_prefetch = 3 : i64, scratch_operands = 0 : i64, tpu.core_type = #tpu.core_type<tc>, window_params = [{pipeline_mode = #tpu.pipeline_mode<synchronous>, transform_indices = @transform_0, window_bounds = array<i64: 2560, 768>}, {pipeline_mode = #tpu.pipeline_mode<synchronous>, transform_indices = @transform_1, window_bounds = array<i64: 2560, 128>}, {transform_indices = @transform_2, window_bounds = array<i64: 1, 768, 3072>}, {transform_indices = @transform_3, window_bounds = array<i64: 1, 1, 3072>}, {transform_indices = @transform_4, window_bounds = array<i64: 1, 3072, 768>}, {transform_indices = @transform_5, window_bounds = array<i64: 1, 1, 768>}, {pipeline_mode = #tpu.pipeline_mode<synchronous>, transform_indices = @transform_6, window_bounds = array<i64: 2560, 768>}]} {
    %get3A = arith.index_cast %arg0 : i32 to index
    %get3A_0 = memref.load %arg2[%get3A] : memref<24xi32, #tpu.memory_space<smem>>
    %multiple_of3A = tpu.assume_multiple %get3A_0, 8 : i32
    %get3A_1 = arith.index_cast %arg0 : i32 to index
    %get3A_2 = memref.load %arg3[%get3A_1] : memref<24xi32, #tpu.memory_space<smem>>
    %lt3A = arith.cmpi slt, %multiple_of3A, %get3A_2 : i32
    %convert_element_type3A = arith.extui %lt3A : i1 to i32
    %cond3A = arith.constant 0 : i32
    %cond3A_3 = arith.cmpi ne, %convert_element_type3A, %cond3A : i32
    scf.if %cond3A_3 {
      %get3A_4 = arith.index_cast %multiple_of3A : i32 to index
      %get3A_5 = arith.constant 0 : index
      %get3A_6 = vector.load %arg4[%get3A_4, %get3A_5] : memref<2560x768xf32, #tpu.memory_space<vmem>>, vector<256x768xf32>
      %get3A_7 = arith.constant 0 : index
      %get3A_8 = arith.constant 0 : index
      %get3A_9 = arith.constant 0 : index
      %get3A_10 = vector.load %arg6[%get3A_7, %get3A_8, %get3A_9] : memref<1x768x3072xf32, #tpu.memory_space<vmem>>, vector<1x768x3072xf32>
      %get3A_11 = vector.shape_cast %get3A_10 : vector<1x768x3072xf32> to vector<768x3072xf32>
      %dot_general3A = arith.constant dense<0.000000e+00> : vector<256x3072xf32>
      %dot_general3A_12 = tpu.matmul %get3A_6, %get3A_11, %dot_general3A {dimension_numbers = #tpu.dot_dimension_numbers<[1], [0], [0], [1], [0, 0, 1, 1], [], []>, transpose_lhs_hint = false} : vector<256x768xf32>, vector<768x3072xf32>, vector<256x3072xf32> -> vector<256x3072xf32>
      %get3A_13 = arith.constant 0 : index
      %get3A_14 = arith.constant 0 : index
      %get3A_15 = arith.constant 0 : index
      %get3A_16 = vector.load %arg7[%get3A_13, %get3A_14, %get3A_15] : memref<1x1x3072xf32, #tpu.memory_space<vmem>>, vector<1x1x3072xf32>
      %get3A_17 = vector.shape_cast %get3A_16 : vector<1x1x3072xf32> to vector<1x3072xf32>
      %add3A = vector.broadcast %get3A_17 : vector<1x3072xf32> to vector<256x3072xf32>
      %add3A_18 = arith.addf %dot_general3A_12, %add3A : vector<256x3072xf32>
      %mul3A = arith.constant 5.000000e-01 : f32
      %mul3A_19 = vector.broadcast %mul3A : f32 to vector<256x3072xf32>
      %mul3A_20 = arith.mulf %mul3A_19, %add3A_18 : vector<256x3072xf32>
      %mul3A_21 = arith.constant 0.707106769 : f32
      %mul3A_22 = vector.broadcast %mul3A_21 : f32 to vector<256x3072xf32>
      %mul3A_23 = arith.mulf %add3A_18, %mul3A_22 : vector<256x3072xf32>
      %erf3A = math.erf %mul3A_23 : vector<256x3072xf32>
      %add3A_24 = arith.constant 1.000000e+00 : f32
      %add3A_25 = vector.broadcast %add3A_24 : f32 to vector<256x3072xf32>
      %add3A_26 = arith.addf %add3A_25, %erf3A : vector<256x3072xf32>
      %mul3A_27 = arith.mulf %mul3A_20, %add3A_26 : vector<256x3072xf32>
      %get3A_28 = arith.constant 0 : index
      %get3A_29 = arith.constant 0 : index
      %get3A_30 = arith.constant 0 : index
      %get3A_31 = vector.load %arg8[%get3A_28, %get3A_29, %get3A_30] : memref<1x3072x768xf32, #tpu.memory_space<vmem>>, vector<1x3072x768xf32>
      %get3A_32 = vector.shape_cast %get3A_31 : vector<1x3072x768xf32> to vector<3072x768xf32>
      %dot_general3A_33 = arith.constant dense<0.000000e+00> : vector<256x768xf32>
      %dot_general3A_34 = tpu.matmul %mul3A_27, %get3A_32, %dot_general3A_33 {dimension_numbers = #tpu.dot_dimension_numbers<[1], [0], [0], [1], [0, 0, 1, 1], [], []>, transpose_lhs_hint = false} : vector<256x3072xf32>, vector<3072x768xf32>, vector<256x768xf32> -> vector<256x768xf32>
      %get3A_35 = arith.constant 0 : index
      %get3A_36 = arith.constant 0 : index
      %get3A_37 = arith.constant 0 : index
      %get3A_38 = vector.load %arg9[%get3A_35, %get3A_36, %get3A_37] : memref<1x1x768xf32, #tpu.memory_space<vmem>>, vector<1x1x768xf32>
      %get3A_39 = vector.shape_cast %get3A_38 : vector<1x1x768xf32> to vector<1x768xf32>
      %add3A_40 = vector.broadcast %get3A_39 : vector<1x768xf32> to vector<256x768xf32>
      %add3A_41 = arith.addf %dot_general3A_34, %add3A_40 : vector<256x768xf32>
      %get3A_42 = arith.index_cast %multiple_of3A : i32 to index
      %get3A_43 = arith.constant 0 : index
      %get3A_44 = vector.load %arg5[%get3A_42, %get3A_43] : memref<2560x128xf32, #tpu.memory_space<vmem>>, vector<256x1xf32>
      %mul3A_45 = vector.broadcast %get3A_44 : vector<256x1xf32> to vector<256x768xf32>
      %mul3A_46 = arith.mulf %add3A_41, %mul3A_45 : vector<256x768xf32>
      %iota3A = tpu.iota {dimensions = array<i32: 0>} : vector<256x1xi32>
      %add3A_47 = vector.broadcast %multiple_of3A : i32 to vector<256x1xi32>
      %add3A_48 = arith.addi %iota3A, %add3A_47 : vector<256x1xi32>
      %lt3A_49 = vector.broadcast %get3A_2 : i32 to vector<256x1xi32>
      %lt3A_50 = arith.cmpi slt, %add3A_48, %lt3A_49 : vector<256x1xi32>
      %get3A_51 = arith.index_cast %multiple_of3A : i32 to index
      %get3A_52 = arith.constant 0 : index
      %get3A_53 = vector.load %arg10[%get3A_51, %get3A_52] : memref<2560x768xf32, #tpu.memory_space<vmem>>, vector<256x768xf32>
      %broadcast_in_dim3A = vector.shape_cast %lt3A_50 : vector<256x1xi1> to vector<256x1xi1>
      %broadcast_in_dim3A_54 = vector.broadcast %broadcast_in_dim3A : vector<256x1xi1> to vector<256x768xi1>
      %select_n3A = arith.select %broadcast_in_dim3A_54, %mul3A_46, %get3A_53 : vector<256x768xi1>, vector<256x768xf32>
      %swap3A = arith.index_cast %multiple_of3A : i32 to index
      %swap3A_55 = arith.constant 0 : index
      %swap3A_56 = vector.load %arg10[%swap3A, %swap3A_55] : memref<2560x768xf32, #tpu.memory_space<vmem>>, vector<256x768xf32>
      tpu.vector_store %arg10[%swap3A, %swap3A_55], %select_n3A {strides = array<i32>} : memref<2560x768xf32, #tpu.memory_space<vmem>>, vector<256x768xf32>,
    } else {
    }
    return
  }
  func.func @transform_0(%arg0: i32, %arg1: memref<24xi32, #tpu.memory_space<smem>>, %arg2: memref<24xi32, #tpu.memory_space<smem>>, %arg3: memref<24xi32, #tpu.memory_space<smem>>) -> (i32, i32) {
    %c0_i32 = arith.constant 0 : i32
    %c0_i32_0 = arith.constant 0 : i32
    %c0_i32_1 = arith.constant 0 : i32
    return %c0_i32, %c0_i32_0 : i32, i32
  }
  func.func @transform_1(%arg0: i32, %arg1: memref<24xi32, #tpu.memory_space<smem>>, %arg2: memref<24xi32, #tpu.memory_space<smem>>, %arg3: memref<24xi32, #tpu.memory_space<smem>>) -> (i32, i32) {
    %c0_i32 = arith.constant 0 : i32
    %c0_i32_0 = arith.constant 0 : i32
    %c0_i32_1 = arith.constant 0 : i32
    return %c0_i32, %c0_i32_0 : i32, i32
  }
  func.func @transform_2(%arg0: i32, %arg1: memref<24xi32, #tpu.memory_space<smem>>, %arg2: memref<24xi32, #tpu.memory_space<smem>>, %arg3: memref<24xi32, #tpu.memory_space<smem>>) -> (i32, i32, i32) {
    %get3A = arith.index_cast %arg0 : i32 to index
    %get3A_0 = memref.load %arg1[%get3A] : memref<24xi32, #tpu.memory_space<smem>>
    %c0_i32 = arith.constant 0 : i32
    %c0_i32_1 = arith.constant 0 : i32
    %c0_i32_2 = arith.constant 0 : i32
    return %get3A_0, %c0_i32, %c0_i32_1 : i32, i32, i32
  }
  func.func @transform_3(%arg0: i32, %arg1: memref<24xi32, #tpu.memory_space<smem>>, %arg2: memref<24xi32, #tpu.memory_space<smem>>, %arg3: memref<24xi32, #tpu.memory_space<smem>>) -> (i32, i32, i32) {
    %get3A = arith.index_cast %arg0 : i32 to index
    %get3A_0 = memref.load %arg1[%get3A] : memref<24xi32, #tpu.memory_space<smem>>
    %c0_i32 = arith.constant 0 : i32
    %c0_i32_1 = arith.constant 0 : i32
    %c0_i32_2 = arith.constant 0 : i32
    return %get3A_0, %c0_i32, %c0_i32_1 : i32, i32, i32
  }
  func.func @transform_4(%arg0: i32, %arg1: memref<24xi32, #tpu.memory_space<smem>>, %arg2: memref<24xi32, #tpu.memory_space<smem>>, %arg3: memref<24xi32, #tpu.memory_space<smem>>) -> (i32, i32, i32) {
    %get3A = arith.index_cast %arg0 : i32 to index
    %get3A_0 = memref.load %arg1[%get3A] : memref<24xi32, #tpu.memory_space<smem>>
    %c0_i32 = arith.constant 0 : i32
    %c0_i32_1 = arith.constant 0 : i32
    %c0_i32_2 = arith.constant 0 : i32
    return %get3A_0, %c0_i32, %c0_i32_1 : i32, i32, i32
  }
  func.func @transform_5(%arg0: i32, %arg1: memref<24xi32, #tpu.memory_space<smem>>, %arg2: memref<24xi32, #tpu.memory_space<smem>>, %arg3: memref<24xi32, #tpu.memory_space<smem>>) -> (i32, i32, i32) {
    %get3A = arith.index_cast %arg0 : i32 to index
    %get3A_0 = memref.load %arg1[%get3A] : memref<24xi32, #tpu.memory_space<smem>>
    %c0_i32 = arith.constant 0 : i32
    %c0_i32_1 = arith.constant 0 : i32
    %c0_i32_2 = arith.constant 0 : i32
    return %get3A_0, %c0_i32, %c0_i32_1 : i32, i32, i32
  }
  func.func @transform_6(%arg0: i32, %arg1: memref<24xi32, #tpu.memory_space<smem>>, %arg2: memref<24xi32, #tpu.memory_space<smem>>, %arg3: memref<24xi32, #tpu.memory_space<smem>>) -> (i32, i32) {
    %c0_i32 = arith.constant 0 : i32
    %c0_i32_0 = arith.constant 0 : i32
    %c0_i32_1 = arith.constant 0 : i32
    return %c0_i32, %c0_i32_0 : i32, i32
  }
}

</mosaic_0001>

<sc_bundles>
// kernel: kernel.6.cloned.1.call-start
scs
__scs_entry_jumppad:
0x0: {  	(pc) =	sbr.rel $0x88, $3  }
0x1: {  	(tag) =	ssettag $0x0;
	lr =	simm.s32 $0x1  }
0x2: {  	[smem:$0x3F9B] =	sst lr;
	_ =	strace $0xD0000000  }
0x3: {  	_ = 	snop  }
0x4: {  	_ = 	snop  }
0x5: {  	_ = 	snop  }
0x6: {  	_ = 	snop  }
0x7: {  	_ = 	snop  }
__scs_overlays_trampoline_lowered:
0x8: {  	[smem:$0x3FAA] =	sst s0  }
0x9: {  	[smem:$0x3FAB] =	sst s1  }
0xa: {  	[smem:$0x3FAC] =	sst s2  }
0xb: {  	[smem:$0x3FAD] =	sst s3  }
0xc: {  	[smem:$0x3FAE] =	sst s4  }
0xd: {  	[smem:$0x3FAF] =	sst s5  }
0xe: {  	[smem:$0x3FB0] =	sst s6  }
0xf: {  	[smem:$0x3FB1] =	sst s7  }
0x10: {  	[smem:$0x3FB2] =	sst s8  }
0x11: {  	[smem:$0x3FB3] =	sst s9;
	s0 =	simm.s32 @!p0 $0x0  }
0x12: {  	s1 =	sld [smem:$0x3F99];
	s0 =	simm.s32 @p0 $0x1  }
0x13: {  	[smem:$0x3FB4] =	sst s0;
	s0 =	simm.s32 @!p1 $0x0  }
0x14: {  	s2 =	sld [smem:$0x3F98];
	s0 =	simm.s32 @p1 $0x1  }
0x15: {  	[smem:$0x3FB5] =	sst s0;
	s0 =	simm.s32 @!p2 $0x0  }
0x16: {  	s3 =	sld [smem:$0x3FDB];
	s0 =	simm.s32 @p2 $0x1  }
0x17: {  	s4 =	simm.s32 $0x1BF5;
	[smem:$0x3FB7] =	sst s0  }
0x18: {  	s0 =	sld [smem:$0x3F9A];
	_ =	swait.ge [sflag:s4], $0x0  }
0x19: {  	s7 =	sld [smem:$0x3F9B]  }
0x1a: {  	s8 =	sadd.s32 $0xFFFFE003, lr  }
0x1b: {  	s9 =	sadd.s32 $0xFFFFFEF7, lr;
	s5 =	simm.s32 $0xFFFFFFFF;
	p2 =	slt.u32 s8, $0xFFFFF086  }
0x1c: {  	p1 =	slt.u32 s9, $0xF7A;
	s5 =	simm.s32 @!p2 $0x0  }
0x1d: {  	s5 =	simm.s32 @p1 $0x1;
	p0 =	seq.s32 s7, s2  }
0x1e: {  	s7 =	smul.u32 @!p0 $0xF7A, s2;
	p2 =	seq.s32 @!p0 s5, $0x0  }
0x1f: {  	s9 =	smul.u32 $0xF7A, s1;
	s8 =	simm.s32 @!p0 $0x1BF5;
	p2 =	por !p2, p0  }
0x20: {  	[sflag:s8] =	ssyncset.s32 @!p0 $0xFFFFF086;
	s6 =	sadd.s32 @!p0 s3, s7;
	s7 =	simm.s32 @!p0 $0x108  }
0x21: {  	s3 =	sadd.s32 s3, s9;
	s6 =	sadd.s32 @!p0 $0x88, s6;
	s7 =	simm.s32 @p2 $0x1082  }
0x22: {  	[simem:s7], [sflag:s8] =	dma.local @!p0 [hbm:s6], $0xF7A  }
0x23: {  	s9 =	sor.u32 $0xD0000000, s2;
	s6 =	simm.s32 $0x108;
	_ =	swait.ge @!p0 [sflag:s8], $0x0  }
0x24: {  	s3 =	sadd.s32 $0x88, s3;
	s6 =	simm.s32 @!p1 $0x1082;
	[sflag:s4] =	ssyncset.s32 $0xFFFFF086  }
0x25: {  	[simem:s6], [sflag:s4] =	dma.local [hbm:s3], $0xF7A  }
0x26: {  	[smem:$0x3F9B] =	sst s1;
	(tag) =	ssettag s2;
	_ =	strace s9  }
0x27: {  	s1 =	sld [smem:$0x3FAB]  }
0x28: {  	s2 =	sld [smem:$0x3FAC]  }
0x29: {  	s4 =	sld [smem:$0x3FAE]  }
0x2a: {  	p0 =	seq.s32 s5, $0x0;
	s5 =	sld [smem:$0x3FAF]  }
0x2b: {  	s6 =	sld [smem:$0x3FB0]  }
0x2c: {  	s7 =	sld [smem:$0x3FB1]  }
0x2d: {  	s3 =	simm.s32 $0x108;
	s8 =	sld [smem:$0x3FB2]  }
0x2e: {  	s3 =	simm.s32 @!p0 $0x1082;
	s9 =	sld [smem:$0x3FB3]  }
0x2f: {  	lr =	sadd.s32 s0, s3;
	s0 =	sld [smem:$0x3FAA]  }
0x30: {  	s3 =	sld [smem:$0x3FAD]  }
0x31: {  	[smem:$0x3FB6] =	sst s10  }
0x32: {  	s10 =	sld [smem:$0x3FB4];
	_ =	sdelay $0x3  }
0x33: {  	p0 =	seq.s32 s10, $0x1;
	s10 =	sld [smem:$0x3FB6];
	_ =	sdelay $0x3  }
0x34: {  	[smem:$0x3FB6] =	sst s10  }
0x35: {  	s10 =	sld [smem:$0x3FB5];
	_ =	sdelay $0x3  }
0x36: {  	p1 =	seq.s32 s10, $0x1;
	s10 =	sld [smem:$0x3FB6];
	_ =	sdelay $0x3  }
0x37: {  	[smem:$0x3FB6] =	sst s10  }
0x38: {  	s10 =	sld [smem:$0x3FB7]  }
0x39: {  	_ = 	snop;
	(pc) =	sbr.ind lr, $3  }
0x3a: {  	_ = 	snop  }
0x3b: {  	_ = 	snop  }
0x3c: {  	p2 =	seq.s32 s10, $0x1;
	s10 =	sld [smem:$0x3FB6]  }
0x3d: {  	_ =	shalt  }
0x3e: {  	_ =	shalt  }
0x3f: {  	_ =	shalt  }
0x40: {  	_ =	shalt  }
0x41: {  	_ =	shalt  }
0x42: {  	_ =	shalt  }
0x43: {  	_ =	shalt  }
0x44: {  	_ =	shalt  }
0x45: {  	_ =	shalt  }
0x46: {  	_ =	shalt  }
0x47: {  	_ =	shalt  }
0x48: {  	_ =	shalt  }
0x49: {  	_ =	shalt  }
0x4a: {  	_ =	shalt  }
0x4b: {  	_ =	shalt  }
0x4c: {  	_ =	shalt  }
0x4d: {  	_ =	shalt  }
0x4e: {  	_ =	shalt  }
0x4f: {  	_ =	shalt  }
0x50: {  	_ =	shalt  }
0x51: {  	_ =	shalt  }
0x52: {  	_ =	shalt  }
0x53: {  	_ =	shalt  }
0x54: {  	_ =	shalt  }
0x55: {  	_ =	shalt  }
0x56: {  	_ =	shalt  }
0x57: {  	_ =	shalt  }
0x58: {  	_ =	shalt  }
0x59: {  	_ =	shalt  }
0x5a: {  	_ =	shalt  }
0x5b: {  	_ =	shalt  }
0x5c: {  	_ =	shalt  }
0x5d: {  	_ =	shalt  }
0x5e: {  	_ =	shalt  }
0x5f: {  	_ =	shalt  }
0x60: {  	_ =	shalt  }
0x61: {  	_ =	shalt  }
0x62: {  	_ =	shalt  }
0x63: {  	_ =	shalt  }
0x64: {  	_ =	shalt  }
0x65: {  	_ =	shalt  }
0x66: {  	_ =	shalt  }
0x67: {  	_ =	shalt  }
0x68: {  	_ =	shalt  }
0x69: {  	_ =	shalt  }
0x6a: {  	_ =	shalt  }
0x6b: {  	_ =	shalt  }
0x6c: {  	_ =	shalt  }
0x6d: {  	_ =	shalt  }
0x6e: {  	_ =	shalt  }
0x6f: {  	_ =	shalt  }
0x70: {  	_ =	shalt  }
0x71: {  	_ =	shalt  }
0x72: {  	_ =	shalt  }
0x73: {  	_ =	shalt  }
0x74: {  	_ =	shalt  }
0x75: {  	_ =	shalt  }
0x76: {  	_ =	shalt  }
0x77: {  	_ =	shalt  }
0x78: {  	_ =	shalt  }
0x79: {  	_ =	shalt  }
0x7a: {  	_ =	shalt  }
0x7b: {  	_ =	shalt  }
0x7c: {  	_ =	shalt  }
0x7d: {  	_ =	shalt  }
0x7e: {  	_ =	shalt  }
0x7f: {  	_ =	shalt  }
0x80: {  	_ =	shalt  }
0x81: {  	_ =	shalt  }
0x82: {  	_ =	shalt  }
0x83: {  	_ =	shalt  }
0x84: {  	_ =	shalt  }
0x85: {  	_ =	shalt  }
0x86: {  	_ =	shalt  }
0x87: {  	_ =	shalt  }
.Lfunc_end0:
.L_simem_size_0:
called_computation_lowered:
.L_overlay_start_0:
0x88: {  	s2 =	sld [smem:$0x3FD9]  }
0x89: {  	s3 =	sld [smem:$0x3FFE];
	_ =	sdelay $0x1  }
0x8a: {  	s1 =	srdreg.scid  }
0x8b: {  	s0 =	sand.u32 $0x1, s1  }
0x8c: {  	s14 =	sshll.u32 s0, $0xA;
	s2 =	sadd.s32 s3, s2  }
0x8d: {  	s2 =	sadd.s32 s2, s14  }
0x8e: {  	[smem:$0x3FC2] =	sst s2  }
0x8f: {  	_ = 	snop  }
0x90: {  	s2 =	sld [smem:$0x3FD0];
	_ =	sdelay $0x2  }
0x91: {  	s4 =	simm.s32 $0xA;
	s5 =	simm.s32 $0x10;
	s15 =	sld [smem:$0x3FC9]  }
0x92: {  	[smem:s5], [sflag:s4] =	dma.local [hbm:s2], $0x1  }
0x93: {  	_ =	swait.eq [sflag:s4], $0x1  }
0x94: {  	[sflag:s4] =	ssyncset.done $0x0  }
0x95: {  	[sflag:s4] =	ssyncadd.s32 $0xFFFFFFFF  }
0x96: {  	s16 =	sld [smem:$0x10];
	(tm) =	ssettm $0x1  }
0x97: {  	s17 =	sld [smem:$0x3FFB];
	_ =	sdelay $0x3  }
0x98: {  	_ =	strace s17  }
0x99: {  	s4 =	sld [smem:$0x3FFC];
	_ =	sdelay $0x3  }
0x9a: {  	_ =	strace s4  }
0x9b: {  	s4 =	sld [smem:$0x3FFD];
	_ =	sdelay $0x3  }
0x9c: {  	_ =	strace s4  }
0x9d: {  	_ =	strace $0x8FFFFFFF  }
0x9e: {  	s18 =	sld [smem:$0x3FDB];
	_ =	sdelay $0x1  }
0x9f: {  	s19 =	simm.s32 $_scs_section_size  }
0xa0: {  	s6 =	simm.s32 $_size__tile_overlayer_lowered;
	s7 =	simm.s32 $_tile_overlayer_lowered  }
0xa1: {  	s22 =	simm.s32 $0x1BFF;
	s21 =	sshll.u32 s7, $0x1;
	s4 =	sadd.s32 s19, s18  }
0xa2: {  	s8 =	simm.s32 $0x0;
	s20 =	sshll.u32 s6, $0x1;
	s6 =	sadd.s32 s21, s4  }
0xa3: {  	[timem:s8], [sflag:s22] =	dma.local [hbm:s6], s20  }
0xa4: {  	_ =	swait.ge [sflag:s22], s20  }
0xa5: {  	s5 =	ssub.s32 $0x0, s20;
	[sflag:s22] =	ssyncset.done $0x0  }
0xa6: {  	[sflag:s22] =	ssyncadd.s32 s5;
	_ =	sdelay $0x1  }
0xa7: {  	s23 =	simm.s32 $0x1B8B  }
0xa8: {  	_ =	swait.ge [sflag:s23], $0x1  }
0xa9: {  	[sflag:s23] =	ssyncset.done $0x0  }
0xaa: {  	s25 =	simm.s32 $0x1B8E;
	s24 =	sld [smem:$0x3FFE];
	[sflag:s23] =	ssyncadd.s32 $0xFFFFFFFF  }
0xab: {  	s26 =	simm.s32 $execute0_lowered;
	[smem:$0x3FD2] =	sst s25  }
0xac: {  	s6 =	sshll.u32 s26, $0x1;
	_ =	strace $0x80000046;
	[dreg:$0x1] =	wrdreg $0xFFFFFFFF  }
0xad: {  	s28 =	simm.s32 $_size_execute0_lowered;
	s4 =	sadd.s32 s4, s6;
	[dreg:$0x0] =	wrdreg $0x0  }
0xae: {  	s6 =	sshll.u32 s28, $0x1;
	[dreg:$0x2] =	wrdreg s4  }
0xaf: {  	[dreg:$0x3] =	wrdreg s6  }
0xb0: {  	[dreg:$0x4] =	wrdreg $0xC0  }
0xb1: {  	_ =	task [dreg:s8], $0x5FFFF  }
0xb2: {  	[dreg:$0x1] =	wrdreg $0xFFFFFFFF  }
0xb3: {  	[dreg:$0x0] =	wrdreg $0x60  }
0xb4: {  	[dreg:$0x2] =	wrdreg s15  }
0xb5: {  	[dreg:$0x3] =	wrdreg s24  }
0xb6: {  	[dreg:$0x4] =	wrdreg s16  }
0xb7: {  	[dreg:$0x5] =	wrdreg $0x9  }
0xb8: {  	_ =	task.clear_ibuf [dreg:s8], $0x6FFFF;
	_ =	strace $0x90000046  }
0xb9: {  	s29 =	simm.s32 $0x9;
	_ =	strace $0x80000048  }
0xba: {  	_ =	swait.ge [sflag:s29], $0x1  }
0xbb: {  	[sflag:s29] =	ssyncadd.s32 $0xFFFFFFFF  }
0xbc: {  	_ =	strace $0x90000048  }
0xbd: {  	_ =	sfence  }
0xbe: {  	s30 =	sld [smem:$0x0];
	_ =	sdelay $0x2  }
0xbf: {  	s31 =	sshll.u32 s1, $0xD;
	s1 =	sshrl.u32 s1, $0x2  }
0xc0: {  	s3 =	sand.u32 $0x4000, s31;
	s1 =	sadd.s32 s1, s30  }
0xc1: {  	s0 =	sor.u32 s3, s0;
	s1 =	sshll.u32 s1, $0x11  }
0xc2: {  	s0 =	sor.u32 s1, s0  }
0xc3: {  	s0 =	sadd.s32 $0x8F2B, s0  }
0xc4: {  	[sflag:s0] =	ssyncadd.remote.s32 $0x1  }
0xc5: {  	_ =	sfence.sel $0xFFFF  }
0xc6: {  	[dreg:$0x0] =	wrdreg $0xFFFFFFFF;
	(pc) =	sbr.abs _section_cstart, $3  }
0xc7: {  	[dreg:$0x1] =	wrdreg $0xFFFFFFFF  }
0xc8: {  	_ =	task.clear_ibuf [dreg:s8], $0x2FFFF;
	_ =	strace $0x9FFFFFFF  }
0xc9: {  	(tm) =	ssettm $0x7FFFFFFF  }
tec
execute0_lowered:
.L_overlay_start_1:
0x0: {  	(tag) =	ssettag $0x1  }
0x1: {  	s1 =	rddreg [dreg:$0x0]  }
0x2: {  	s5 =	rddreg [dreg:$0x1];
	s2 =	srdreg.scid  }
0x3: {  	s3 =	rddreg [dreg:$0x2];
	s0 =	stileid.u32;
	s23 =	simm.s32 $0x880  }
0x4: {  	s24 =	simm.s32 $0x1080;
	s25 =	simm.s32 $0x1880;
	s8 =	simm.s32 $0x80  }
0x5: {  	s26 =	simm.s32 $0x2080;
	s9 =	simm.s32 $0xC080;
	s11 =	simm.s32 $0x3080  }
0x6: {  	s12 =	simm.s32 $0x3880;
	s13 =	simm.s32 $0x4080;
	s14 =	simm.s32 $0x4880  }
0x7: {  	s15 =	simm.s32 $0x5080;
	s16 =	simm.s32 $0x5880;
	s17 =	simm.s32 $0x6080  }
0x8: {  	s18 =	simm.s32 $0x6880;
	s19 =	simm.s32 $0x7080;
	s28 =	simm.s32 $0xB080  }
0x9: {  	s4 =	sand.u32 $0x1, s2;
	[dreg:$0x4] =	wrdreg s3;
	s2 =	simm.s32 $0x0  }
0xa: {  	s29 =	simm.s32 $0xB880;
	s30 =	simm.s32 $0x40;
	[smem:$0x7FF] =	sst s2  }
0xb: {  	s31 =	simm.s32 $0x1;
	_ =	strace $0x80000047;
	[dreg:$0x8] =	wrdreg s23  }
0xc: {  	s20 =	sshll.u32 s0, $0x7;
	s6 =	sshll.u32 s4, $0x6;
	[dreg:$0x9] =	wrdreg s24  }
0xd: {  	s4 =	ssub.s32 $0x2, s4;
	s3 =	sor.u32 s6, s20;
	[dreg:$0xa] =	wrdreg s25  }
0xe: {  	s21 =	sshrl.u32 s4, $0x1;
	[dreg:$0xb] =	wrdreg s26;
	s20 =	simm.s32 $0x7880  }
0xf: {  	s23 =	simm.s32 $0x9080;
	s24 =	simm.s32 $0x9880;
	s25 =	simm.s32 $0xA080  }
0x10: {  	s26 =	simm.s32 $0xA880;
	s6 =	sshrl.u32 s3, $0x3;
	s3 =	sshll.u32 s3, $0x4  }
0x11: {  	s7 =	sadd.s32 s6, s5;
	s6 =	smul.u32 $0x300, s6;
	s3 =	sadd.s32 s3, s5  }
0x12: {  	s7 =	sadd.s32 $0x8800, s7;
	s22 =	sadd.s32 $0x800, s3;
	s3 =	sadd.s32 $0x8A00, s5  }
0x13: {  	[dreg:$0x5] =	wrdreg s7;
	s1 =	sadd.s32 s1, s6;
	s6 =	ssub.s32 s4, s21  }
0x14: {  	v2 =	vlaneseq.u32;
	[dreg:$0x7] =	wrdreg s22;
	s4 =	sadd.s32 $0x8B00, s5;
	s5 =	sadd.s32 $0x8C00, s5  }
0x15: {  	vm0 =	vmmov $0xffff;
	v1 =	vshrl.u32 v2, $0x3;
	s7 =	simm.s32 $0x3;
	s21 =	simm.s32 $0x8080;
	s22 =	simm.s32 $0x8880  }
0x16: {  	v0 =	vand.u32 $0x7, v2;
	v2 =	vor.u32 $0x8, v2;
	v1 =	vmul.u32 $0x8, v1;
	[dreg:$0x6] =	wrdreg s1;
	s6 =	smax.u32 s6, $0x1;
	s1 =	simm.s32 $0x2  }
.LBB2_1:
0x17: {  	s0 =	rddreg [dreg:$0x5]  }
0x18: {  	[tilespmem:s2], [sflag:$0x3] =	stream.linear.gather [hbm4b:s0+s2], $0x40, $0x38;
	[tilespmem:$0xE080] =	vst v63  }
0x19: {  	_ =	swait.ge [sflag:s7], $0x40  }
0x1a: {  	[sflag:s7] =	ssyncset.done $0x0  }
0x1b: {  	s10 =	rddreg [dreg:$0x6];
	[sflag:s7] =	ssyncadd.s32 $0xFFFFFFC0  }
0x1c: {  	[tilespmem:s8], [sflag:$0x3] =	stream.linear.gather [hbm4b:s10+s2], $0xC000, $0x38;
	[tilespmem:$0xE080] =	vst v63  }
0x1d: {  	_ =	swait.ge [sflag:s7], $0xC000  }
0x1e: {  	[sflag:s7] =	ssyncset.done $0x0  }
0x1f: {  	s10 =	rddreg [dreg:$0x7];
	[sflag:s7] =	ssyncadd.s32 $0xFFFF4000  }
0x20: {  	[tilespmem:s9], [sflag:$0x3] =	stream.linear.gather [hbm4b:s10+s2], $0x2000, $0x38;
	[tilespmem:$0xE080] =	vst v63  }
0x21: {  	_ =	swait.ge [sflag:s7], $0x2000  }
0x22: {  	[sflag:s7] =	ssyncset.done $0x0  }
0x23: {  	[sflag:s7] =	ssyncadd.s32 $0xFFFFE000  }
0x24: {  	v3 =	vld [tilespmem:$0x0];
	_ =	sdelay $0x4  }
0x25: {  	v4 =	vshrl.u32 v3, $0x3  }
0x26: {  	v4 =	vmul.u32 $0x30, v4  }
0x27: {  	v3 =	vand.u32 $0x7, v3  }
0x28: {  	v3 =	vor.u32 v3, v4  }
0x29: {  	v4 =	vperm.xlane v3, v0;
	_ =	sdelay $0x1  }
0x2a: {  	v4 =	vadd.s32 v1, v4;
	_ =	sdelay $0x3  }
0x2b: {  	v3 =	vperm.xlane v3, v2  }
0x2c: {  	[hbm4b:s3+s2] =	stream.indirect_vreg.scatter [tilespmem:s8], [sflag:$0x1], $0x80, v4, vm0, $0xb8;
	[tilespmem:$0xE080] =	vst v63  }
0x2d: {  	s0 =	rddreg [dreg:$0x8];
	v3 =	vadd.s32 v1, v3  }
0x2e: {  	[hbm4b:s4+s2] =	stream.indirect_vreg.scatter [tilespmem:s0], [sflag:$0x1], $0x80, v4, vm0, $0xb8;
	[tilespmem:$0xE080] =	vst v63  }
0x2f: {  	s10 =	rddreg [dreg:$0x9]  }
0x30: {  	[hbm4b:s5+s2] =	stream.indirect_vreg.scatter [tilespmem:s10], [sflag:$0x1], $0x80, v4, vm0, $0xb8;
	[tilespmem:$0xE080] =	vst v63  }
0x31: {  	s0 =	rddreg [dreg:$0xa]  }
0x32: {  	[hbm4b:s3+s2] =	stream.indirect_vreg.scatter [tilespmem:s0], [sflag:$0x1], $0x80, v3, vm0, $0xb8;
	[tilespmem:$0xE080] =	vst v63  }
0x33: {  	s10 =	rddreg [dreg:$0xb]  }
0x34: {  	[hbm4b:s4+s2] =	stream.indirect_vreg.scatter [tilespmem:s10], [sflag:$0x1], $0x80, v3, vm0, $0xb8;
	[tilespmem:$0xE080] =	vst v63  }
0x35: {  	s10 =	simm.s32 $0x2880  }
0x36: {  	[hbm4b:s5+s2] =	stream.indirect_vreg.scatter [tilespmem:s10], [sflag:$0x1], $0x80, v3, vm0, $0xb8;
	[tilespmem:$0xE080] =	vst v63  }
0x37: {  	v3 =	vld [tilespmem:$0x10];
	_ =	sdelay $0x4  }
0x38: {  	v61 =	vshrl.u32 v3, $0x3  }
0x39: {  	v4 =	vmul.u32 $0x30, v61  }
0x3a: {  	v3 =	vand.u32 $0x7, v3  }
0x3b: {  	v3 =	vor.u32 v3, v4  }
0x3c: {  	v4 =	vperm.xlane v3, v0;
	_ =	sdelay $0x1  }
0x3d: {  	v4 =	vadd.s32 v1, v4;
	_ =	sdelay $0x3  }
0x3e: {  	v3 =	vperm.xlane v3, v2  }
0x3f: {  	[hbm4b:s3+s2] =	stream.indirect_vreg.scatter [tilespmem:s11], [sflag:$0x1], $0x80, v4, vm0, $0xb8;
	[tilespmem:$0xE080] =	vst v63  }
0x40: {  	v3 =	vadd.s32 v1, v3  }
0x41: {  	[hbm4b:s4+s2] =	stream.indirect_vreg.scatter [tilespmem:s12], [sflag:$0x1], $0x80, v4, vm0, $0xb8;
	[tilespmem:$0xE080] =	vst v63  }
0x42: {  	_ = 	snop  }
0x43: {  	[hbm4b:s5+s2] =	stream.indirect_vreg.scatter [tilespmem:s13], [sflag:$0x1], $0x80, v4, vm0, $0xb8;
	[tilespmem:$0xE080] =	vst v63  }
0x44: {  	_ = 	snop  }
0x45: {  	[hbm4b:s3+s2] =	stream.indirect_vreg.scatter [tilespmem:s14], [sflag:$0x1], $0x80, v3, vm0, $0xb8;
	[tilespmem:$0xE080] =	vst v63  }
0x46: {  	_ = 	snop  }
0x47: {  	[hbm4b:s4+s2] =	stream.indirect_vreg.scatter [tilespmem:s15], [sflag:$0x1], $0x80, v3, vm0, $0xb8;
	[tilespmem:$0xE080] =	vst v63  }
0x48: {  	_ = 	snop  }
0x49: {  	[hbm4b:s5+s2] =	stream.indirect_vreg.scatter [tilespmem:s16], [sflag:$0x1], $0x80, v3, vm0, $0xb8;
	[tilespmem:$0xE080] =	vst v63  }
0x4a: {  	v3 =	vld [tilespmem:$0x20];
	_ =	sdelay $0x4  }
0x4b: {  	v62 =	vshrl.u32 v3, $0x3  }
0x4c: {  	v4 =	vmul.u32 $0x30, v62  }
0x4d: {  	v3 =	vand.u32 $0x7, v3  }
0x4e: {  	v3 =	vor.u32 v3, v4  }
0x4f: {  	v4 =	vperm.xlane v3, v0;
	_ =	sdelay $0x1  }
0x50: {  	v4 =	vadd.s32 v1, v4;
	_ =	sdelay $0x3  }
0x51: {  	v3 =	vperm.xlane v3, v2  }
0x52: {  	[hbm4b:s3+s2] =	stream.indirect_vreg.scatter [tilespmem:s17], [sflag:$0x1], $0x80, v4, vm0, $0xb8;
	[tilespmem:$0xE080] =	vst v63  }
0x53: {  	v3 =	vadd.s32 v1, v3  }
0x54: {  	[hbm4b:s4+s2] =	stream.indirect_vreg.scatter [tilespmem:s18], [sflag:$0x1], $0x80, v4, vm0, $0xb8;
	[tilespmem:$0xE080] =	vst v63  }
0x55: {  	_ = 	snop  }
0x56: {  	[hbm4b:s5+s2] =	stream.indirect_vreg.scatter [tilespmem:s19], [sflag:$0x1], $0x80, v4, vm0, $0xb8;
	[tilespmem:$0xE080] =	vst v63  }
0x57: {  	_ = 	snop  }
0x58: {  	[hbm4b:s3+s2] =	stream.indirect_vreg.scatter [tilespmem:s20], [sflag:$0x1], $0x80, v3, vm0, $0xb8;
	[tilespmem:$0xE080] =	vst v63  }
0x59: {  	_ = 	snop  }
0x5a: {  	[hbm4b:s4+s2] =	stream.indirect_vreg.scatter [tilespmem:s21], [sflag:$0x1], $0x80, v3, vm0, $0xb8;
	[tilespmem:$0xE080] =	vst v63  }
0x5b: {  	_ = 	snop  }
0x5c: {  	[hbm4b:s5+s2] =	stream.indirect_vreg.scatter [tilespmem:s22], [sflag:$0x1], $0x80, v3, vm0, $0xb8;
	[tilespmem:$0xE080] =	vst v63  }
0x5d: {  	v3 =	vld [tilespmem:$0x30];
	_ =	sdelay $0x4  }
0x5e: {  	v63 =	vshrl.u32 v3, $0x3  }
0x5f: {  	v4 =	vmul.u32 $0x30, v63  }
0x60: {  	v3 =	vand.u32 $0x7, v3  }
0x61: {  	v3 =	vor.u32 v3, v4  }
0x62: {  	v4 =	vperm.xlane v3, v0;
	_ =	sdelay $0x1  }
0x63: {  	v4 =	vadd.s32 v1, v4;
	_ =	sdelay $0x3  }
0x64: {  	v3 =	vperm.xlane v3, v2  }
0x65: {  	[hbm4b:s3+s2] =	stream.indirect_vreg.scatter [tilespmem:s23], [sflag:$0x1], $0x80, v4, vm0, $0xb8;
	[tilespmem:$0xE080] =	vst v63  }
0x66: {  	v3 =	vadd.s32 v1, v3  }
0x67: {  	[hbm4b:s4+s2] =	stream.indirect_vreg.scatter [tilespmem:s24], [sflag:$0x1], $0x80, v4, vm0, $0xb8;
	[tilespmem:$0xE080] =	vst v63  }
0x68: {  	_ = 	snop  }
0x69: {  	[hbm4b:s5+s2] =	stream.indirect_vreg.scatter [tilespmem:s25], [sflag:$0x1], $0x80, v4, vm0, $0xb8;
	[tilespmem:$0xE080] =	vst v63  }
0x6a: {  	_ = 	snop  }
0x6b: {  	[hbm4b:s3+s2] =	stream.indirect_vreg.scatter [tilespmem:s26], [sflag:$0x1], $0x80, v3, vm0, $0xb8;
	[tilespmem:$0xE080] =	vst v63  }
0x6c: {  	_ = 	snop  }
0x6d: {  	[hbm4b:s4+s2] =	stream.indirect_vreg.scatter [tilespmem:s28], [sflag:$0x1], $0x80, v3, vm0, $0xb8;
	[tilespmem:$0xE080] =	vst v63  }
0x6e: {  	_ = 	snop  }
0x6f: {  	[hbm4b:s5+s2] =	stream.indirect_vreg.scatter [tilespmem:s29], [sflag:$0x1], $0x80, v3, vm0, $0xb8;
	[tilespmem:$0xE080] =	vst v63  }
0x70: {  	s10 =	rddreg [dreg:$0x4]  }
0x71: {  	[hbm4b:s10+s30] =	stream.indirect.scatter [tilespmem:s9], [sflag:$0x2], $0x80, s2, s30, $0xb8;
	[tilespmem:$0xE080] =	vst v63  }
0x72: {  	p0 =	sne.s32 s6, $0x1;
	_ =	swait.ge [sflag:s31], $0xC000  }
.Ltmp0:
0x73: {  	[sflag:s31] =	ssyncset.done $0x0;
	(pc) =	sbr.rel @p0 .LBB2_1-.Ltmp0, $4  }
0x74: {  	[sflag:s31] =	ssyncadd.s32 $0xFFFF4000  }
0x75: {  	_ =	swait.ge [sflag:s1], $0x2000  }
0x76: {  	[sflag:s1] =	ssyncset.done $0x0  }
0x77: {  	s6 =	sadd.s32 $0xFFFFFFFF, s6;
	[sflag:s1] =	ssyncadd.s32 $0xFFFFE000  }
0x78: {  	_ =	sfence.sel $0x180000  }
0x79: {  	[bflag:$0x0] =	sbarrier.arrive $0xFFFF  }
0x7a: {  	_ =	strace $0x90000047  }
0x7b: {  	s0 =	stileid.u32;
	[bflag:$0x2] =	sbarrier.arrive $0xFFFF  }
0x7c: {  	p0 =	sne.s32 s0, $0x0;
	s0 =	rddreg [dreg:$0x3]  }
0x7d: {  	s0 =	sadd.s32 @!p0 $0x100000, s0  }
0x7e: {  	[sflag:s0] =	ssyncadd.tile.s32 @!p0 $0x1;
	_ =	shalt  }
.Lfunc_end2:
_tile_overlayer_lowered:
.L_overlay_start_2:
0x7f: {  	(tag) =	ssettag $0x2  }
0x80: {  	s0 =	rddreg [dreg:$0x0];
	s2 =	stileid.u32  }
0x81: {  	s1 =	rddreg [dreg:$0x1];
	p0 =	sne.s32 s2, $0x0  }
0x82: {  	s3 =	rddreg [dreg:$0x2];
	[bflag:$0x3] =	sbarrier.arrive $0xFFFF;
	s2 =	simm.s32 @!p0 $0x1C03  }
0x83: {  	[timem:s3], [sflag:s2] =	dma.local @!p0 [hbm:s0], s1  }
0x84: {  	s0 =	simm.s32 @!p0 $0x3  }
0x85: {  	_ =	swait.ge @!p0 [sflag:s0], s1  }
0x86: {  	s1 =	ssub.s32 @!p0 $0x0, s1;
	[sflag:s0] =	ssyncset.done @!p0 $0x0  }
0x87: {  	[sflag:s0] =	ssyncadd.s32 @!p0 s1  }
0x88: {  	[bflag:$0x3] =	sbarrier.arrive $0xFFFF  }
0x89: {  	_ =	shalt  }

// kernel: kernel.9.cloned.1.call-start
scs
__scs_entry_jumppad:
0x0: {  	(pc) =	sbr.rel $0x88, $3  }
0x1: {  	(tag) =	ssettag $0x0;
	lr =	simm.s32 $0x1  }
0x2: {  	[smem:$0x3F9B] =	sst lr;
	_ =	strace $0xD0000000  }
0x3: {  	_ = 	snop  }
0x4: {  	_ = 	snop  }
0x5: {  	_ = 	snop  }
0x6: {  	_ = 	snop  }
0x7: {  	_ = 	snop  }
__scs_overlays_trampoline_lowered:
0x8: {  	[smem:$0x3FAA] =	sst s0  }
0x9: {  	[smem:$0x3FAB] =	sst s1  }
0xa: {  	[smem:$0x3FAC] =	sst s2  }
0xb: {  	[smem:$0x3FAD] =	sst s3  }
0xc: {  	[smem:$0x3FAE] =	sst s4  }
0xd: {  	[smem:$0x3FAF] =	sst s5  }
0xe: {  	[smem:$0x3FB0] =	sst s6  }
0xf: {  	[smem:$0x3FB1] =	sst s7  }
0x10: {  	[smem:$0x3FB2] =	sst s8  }
0x11: {  	[smem:$0x3FB3] =	sst s9;
	s0 =	simm.s32 @!p0 $0x0  }
0x12: {  	s1 =	sld [smem:$0x3F99];
	s0 =	simm.s32 @p0 $0x1  }
0x13: {  	[smem:$0x3FB4] =	sst s0;
	s0 =	simm.s32 @!p1 $0x0  }
0x14: {  	s2 =	sld [smem:$0x3F98];
	s0 =	simm.s32 @p1 $0x1  }
0x15: {  	[smem:$0x3FB5] =	sst s0;
	s0 =	simm.s32 @!p2 $0x0  }
0x16: {  	s3 =	sld [smem:$0x3FDB];
	s0 =	simm.s32 @p2 $0x1  }
0x17: {  	s4 =	simm.s32 $0x1BF5;
	[smem:$0x3FB7] =	sst s0  }
0x18: {  	s0 =	sld [smem:$0x3F9A];
	_ =	swait.ge [sflag:s4], $0x0  }
0x19: {  	s7 =	sld [smem:$0x3F9B]  }
0x1a: {  	s8 =	sadd.s32 $0xFFFFE003, lr  }
0x1b: {  	s9 =	sadd.s32 $0xFFFFFEF7, lr;
	s5 =	simm.s32 $0xFFFFFFFF;
	p2 =	slt.u32 s8, $0xFFFFF086  }
0x1c: {  	p1 =	slt.u32 s9, $0xF7A;
	s5 =	simm.s32 @!p2 $0x0  }
0x1d: {  	s5 =	simm.s32 @p1 $0x1;
	p0 =	seq.s32 s7, s2  }
0x1e: {  	s7 =	smul.u32 @!p0 $0xF7A, s2;
	p2 =	seq.s32 @!p0 s5, $0x0  }
0x1f: {  	s9 =	smul.u32 $0xF7A, s1;
	s8 =	simm.s32 @!p0 $0x1BF5;
	p2 =	por !p2, p0  }
0x20: {  	[sflag:s8] =	ssyncset.s32 @!p0 $0xFFFFF086;
	s6 =	sadd.s32 @!p0 s3, s7;
	s7 =	simm.s32 @!p0 $0x108  }
0x21: {  	s3 =	sadd.s32 s3, s9;
	s6 =	sadd.s32 @!p0 $0x88, s6;
	s7 =	simm.s32 @p2 $0x1082  }
0x22: {  	[simem:s7], [sflag:s8] =	dma.local @!p0 [hbm:s6], $0xF7A  }
0x23: {  	s9 =	sor.u32 $0xD0000000, s2;
	s6 =	simm.s32 $0x108;
	_ =	swait.ge @!p0 [sflag:s8], $0x0  }
0x24: {  	s3 =	sadd.s32 $0x88, s3;
	s6 =	simm.s32 @!p1 $0x1082;
	[sflag:s4] =	ssyncset.s32 $0xFFFFF086  }
0x25: {  	[simem:s6], [sflag:s4] =	dma.local [hbm:s3], $0xF7A  }
0x26: {  	[smem:$0x3F9B] =	sst s1;
	(tag) =	ssettag s2;
	_ =	strace s9  }
0x27: {  	s1 =	sld [smem:$0x3FAB]  }
0x28: {  	s2 =	sld [smem:$0x3FAC]  }
0x29: {  	s4 =	sld [smem:$0x3FAE]  }
0x2a: {  	p0 =	seq.s32 s5, $0x0;
	s5 =	sld [smem:$0x3FAF]  }
0x2b: {  	s6 =	sld [smem:$0x3FB0]  }
0x2c: {  	s7 =	sld [smem:$0x3FB1]  }
0x2d: {  	s3 =	simm.s32 $0x108;
	s8 =	sld [smem:$0x3FB2]  }
0x2e: {  	s3 =	simm.s32 @!p0 $0x1082;
	s9 =	sld [smem:$0x3FB3]  }
0x2f: {  	lr =	sadd.s32 s0, s3;
	s0 =	sld [smem:$0x3FAA]  }
0x30: {  	s3 =	sld [smem:$0x3FAD]  }
0x31: {  	[smem:$0x3FB6] =	sst s10  }
0x32: {  	s10 =	sld [smem:$0x3FB4];
	_ =	sdelay $0x3  }
0x33: {  	p0 =	seq.s32 s10, $0x1;
	s10 =	sld [smem:$0x3FB6];
	_ =	sdelay $0x3  }
0x34: {  	[smem:$0x3FB6] =	sst s10  }
0x35: {  	s10 =	sld [smem:$0x3FB5];
	_ =	sdelay $0x3  }
0x36: {  	p1 =	seq.s32 s10, $0x1;
	s10 =	sld [smem:$0x3FB6];
	_ =	sdelay $0x3  }
0x37: {  	[smem:$0x3FB6] =	sst s10  }
0x38: {  	s10 =	sld [smem:$0x3FB7]  }
0x39: {  	_ = 	snop;
	(pc) =	sbr.ind lr, $3  }
0x3a: {  	_ = 	snop  }
0x3b: {  	_ = 	snop  }
0x3c: {  	p2 =	seq.s32 s10, $0x1;
	s10 =	sld [smem:$0x3FB6]  }
0x3d: {  	_ =	shalt  }
0x3e: {  	_ =	shalt  }
0x3f: {  	_ =	shalt  }
0x40: {  	_ =	shalt  }
0x41: {  	_ =	shalt  }
0x42: {  	_ =	shalt  }
0x43: {  	_ =	shalt  }
0x44: {  	_ =	shalt  }
0x45: {  	_ =	shalt  }
0x46: {  	_ =	shalt  }
0x47: {  	_ =	shalt  }
0x48: {  	_ =	shalt  }
0x49: {  	_ =	shalt  }
0x4a: {  	_ =	shalt  }
0x4b: {  	_ =	shalt  }
0x4c: {  	_ =	shalt  }
0x4d: {  	_ =	shalt  }
0x4e: {  	_ =	shalt  }
0x4f: {  	_ =	shalt  }
0x50: {  	_ =	shalt  }
0x51: {  	_ =	shalt  }
0x52: {  	_ =	shalt  }
0x53: {  	_ =	shalt  }
0x54: {  	_ =	shalt  }
0x55: {  	_ =	shalt  }
0x56: {  	_ =	shalt  }
0x57: {  	_ =	shalt  }
0x58: {  	_ =	shalt  }
0x59: {  	_ =	shalt  }
0x5a: {  	_ =	shalt  }
0x5b: {  	_ =	shalt  }
0x5c: {  	_ =	shalt  }
0x5d: {  	_ =	shalt  }
0x5e: {  	_ =	shalt  }
0x5f: {  	_ =	shalt  }
0x60: {  	_ =	shalt  }
0x61: {  	_ =	shalt  }
0x62: {  	_ =	shalt  }
0x63: {  	_ =	shalt  }
0x64: {  	_ =	shalt  }
0x65: {  	_ =	shalt  }
0x66: {  	_ =	shalt  }
0x67: {  	_ =	shalt  }
0x68: {  	_ =	shalt  }
0x69: {  	_ =	shalt  }
0x6a: {  	_ =	shalt  }
0x6b: {  	_ =	shalt  }
0x6c: {  	_ =	shalt  }
0x6d: {  	_ =	shalt  }
0x6e: {  	_ =	shalt  }
0x6f: {  	_ =	shalt  }
0x70: {  	_ =	shalt  }
0x71: {  	_ =	shalt  }
0x72: {  	_ =	shalt  }
0x73: {  	_ =	shalt  }
0x74: {  	_ =	shalt  }
0x75: {  	_ =	shalt  }
0x76: {  	_ =	shalt  }
0x77: {  	_ =	shalt  }
0x78: {  	_ =	shalt  }
0x79: {  	_ =	shalt  }
0x7a: {  	_ =	shalt  }
0x7b: {  	_ =	shalt  }
0x7c: {  	_ =	shalt  }
0x7d: {  	_ =	shalt  }
0x7e: {  	_ =	shalt  }
0x7f: {  	_ =	shalt  }
0x80: {  	_ =	shalt  }
0x81: {  	_ =	shalt  }
0x82: {  	_ =	shalt  }
0x83: {  	_ =	shalt  }
0x84: {  	_ =	shalt  }
0x85: {  	_ =	shalt  }
0x86: {  	_ =	shalt  }
0x87: {  	_ =	shalt  }
.Lfunc_end0:
.L_simem_size_0:
called_computation.1_lowered:
.L_overlay_start_0:
0x88: {  	s2 =	sld [smem:$0x3FD9]  }
0x89: {  	s3 =	sld [smem:$0x3FFE];
	_ =	sdelay $0x1  }
0x8a: {  	s1 =	srdreg.scid  }
0x8b: {  	s0 =	sand.u32 $0x1, s1  }
0x8c: {  	s14 =	sshll.u32 s0, $0xA;
	s2 =	sadd.s32 s3, s2  }
0x8d: {  	s2 =	sadd.s32 s2, s14  }
0x8e: {  	[smem:$0x3FC2] =	sst s2  }
0x8f: {  	_ = 	snop  }
0x90: {  	s2 =	sld [smem:$0x3FD0];
	_ =	sdelay $0x2  }
0x91: {  	s15 =	simm.s32 $0xA;
	s4 =	simm.s32 $0x10  }
0x92: {  	[smem:s4], [sflag:s15] =	dma.local [hbm:s2], $0x1  }
0x93: {  	_ =	swait.eq [sflag:s15], $0x1  }
0x94: {  	[sflag:s15] =	ssyncset.done $0x0  }
0x95: {  	[sflag:s15] =	ssyncadd.s32 $0xFFFFFFFF  }
0x96: {  	s16 =	sld [smem:$0x10];
	(tm) =	ssettm $0x1  }
0x97: {  	s17 =	sld [smem:$0x3FFB];
	_ =	sdelay $0x3  }
0x98: {  	_ =	strace s17  }
0x99: {  	s3 =	sld [smem:$0x3FFC];
	_ =	sdelay $0x3  }
0x9a: {  	_ =	strace s3  }
0x9b: {  	s3 =	sld [smem:$0x3FFD];
	_ =	sdelay $0x3  }
0x9c: {  	_ =	strace s3  }
0x9d: {  	_ =	strace $0x8FFFFFFF  }
0x9e: {  	s18 =	sld [smem:$0x3FDB];
	_ =	sdelay $0x1  }
0x9f: {  	s19 =	simm.s32 $_scs_section_size  }
0xa0: {  	s5 =	simm.s32 $_size__tile_overlayer_lowered;
	s6 =	simm.s32 $_tile_overlayer_lowered  }
0xa1: {  	s22 =	simm.s32 $0x1BFF;
	s21 =	sshll.u32 s6, $0x1;
	s3 =	sadd.s32 s19, s18  }
0xa2: {  	s7 =	simm.s32 $0x0;
	s20 =	sshll.u32 s5, $0x1;
	s5 =	sadd.s32 s21, s3  }
0xa3: {  	[timem:s7], [sflag:s22] =	dma.local [hbm:s5], s20  }
0xa4: {  	_ =	swait.ge [sflag:s22], s20  }
0xa5: {  	s4 =	ssub.s32 $0x0, s20;
	[sflag:s22] =	ssyncset.done $0x0  }
0xa6: {  	[sflag:s22] =	ssyncadd.s32 s4;
	_ =	sdelay $0x1  }
0xa7: {  	s23 =	simm.s32 $0x1B8B  }
0xa8: {  	_ =	swait.ge [sflag:s23], $0x1  }
0xa9: {  	[sflag:s23] =	ssyncset.done $0x0  }
0xaa: {  	s25 =	simm.s32 $0x1B8E;
	s24 =	sld [smem:$0x3FFE];
	[sflag:s23] =	ssyncadd.s32 $0xFFFFFFFF  }
0xab: {  	s26 =	simm.s32 $execute0_lowered;
	[smem:$0x3FD2] =	sst s25  }
0xac: {  	s5 =	sshll.u32 s26, $0x1;
	_ =	strace $0x80000049;
	[dreg:$0x1] =	wrdreg $0xFFFFFFFF  }
0xad: {  	s28 =	simm.s32 $_size_execute0_lowered;
	s3 =	sadd.s32 s3, s5;
	[dreg:$0x0] =	wrdreg $0x0  }
0xae: {  	s5 =	sshll.u32 s28, $0x1;
	[dreg:$0x2] =	wrdreg s3  }
0xaf: {  	[dreg:$0x3] =	wrdreg s5  }
0xb0: {  	[dreg:$0x4] =	wrdreg $0xC0  }
0xb1: {  	_ =	task [dreg:s7], $0x5FFFF  }
0xb2: {  	[dreg:$0x1] =	wrdreg $0xFFFFFFFF  }
0xb3: {  	[dreg:$0x0] =	wrdreg $0x60  }
0xb4: {  	[dreg:$0x2] =	wrdreg s24  }
0xb5: {  	[dreg:$0x3] =	wrdreg s16  }
0xb6: {  	[dreg:$0x4] =	wrdreg $0x9  }
0xb7: {  	_ =	task.clear_ibuf [dreg:s7], $0x5FFFF;
	_ =	strace $0x90000049  }
0xb8: {  	s29 =	simm.s32 $0x9;
	_ =	strace $0x8000004B  }
0xb9: {  	_ =	swait.ge [sflag:s29], $0x1  }
0xba: {  	[sflag:s29] =	ssyncadd.s32 $0xFFFFFFFF  }
0xbb: {  	_ =	strace $0x9000004B  }
0xbc: {  	_ =	sfence  }
0xbd: {  	s30 =	sld [smem:$0x0];
	_ =	sdelay $0x2  }
0xbe: {  	s31 =	sshll.u32 s1, $0xD;
	s1 =	sshrl.u32 s1, $0x2  }
0xbf: {  	s3 =	sand.u32 $0x4000, s31;
	s1 =	sadd.s32 s1, s30  }
0xc0: {  	s0 =	sor.u32 s3, s0;
	s1 =	sshll.u32 s1, $0x11  }
0xc1: {  	s0 =	sor.u32 s1, s0  }
0xc2: {  	s0 =	sadd.s32 $0x8F2B, s0  }
0xc3: {  	[sflag:s0] =	ssyncadd.remote.s32 $0x1  }
0xc4: {  	_ =	sfence.sel $0xFFFF  }
0xc5: {  	[dreg:$0x0] =	wrdreg $0xFFFFFFFF;
	(pc) =	sbr.abs _section_cstart, $3  }
0xc6: {  	[dreg:$0x1] =	wrdreg $0xFFFFFFFF  }
0xc7: {  	_ =	task.clear_ibuf [dreg:s7], $0x2FFFF;
	_ =	strace $0x9FFFFFFF  }
0xc8: {  	(tm) =	ssettm $0x7FFFFFFF  }
0xc9: {  	_ =	shalt  }
tec
execute0_lowered:
.L_overlay_start_1:
0x0: {  	(tag) =	ssettag $0x1  }
0x1: {  	s0 =	rddreg [dreg:$0x0]  }
0x2: {  	s5 =	rddreg [dreg:$0x1];
	s3 =	srdreg.scid  }
0x3: {  	s2 =	simm.s32 $0x0;
	s1 =	stileid.u32;
	s26 =	simm.s32 $0x880  }
0x4: {  	s10 =	simm.s32 $0x1880;
	s11 =	simm.s32 $0x2080;
	s12 =	simm.s32 $0x2880  }
0x5: {  	s13 =	simm.s32 $0x3080;
	s14 =	simm.s32 $0x3880;
	s15 =	simm.s32 $0x4080  }
0x6: {  	s16 =	simm.s32 $0x4880;
	s17 =	simm.s32 $0x5080;
	s18 =	simm.s32 $0x5880  }
0x7: {  	s19 =	simm.s32 $0x6080;
	s20 =	simm.s32 $0x6880;
	s21 =	simm.s32 $0x7080  }
0x8: {  	s22 =	simm.s32 $0x7880;
	s28 =	simm.s32 $0xA080;
	s29 =	simm.s32 $0xA880  }
0x9: {  	s30 =	simm.s32 $0xB080;
	s31 =	simm.s32 $0xB880;
	s3 =	sand.u32 $0x1, s3  }
0xa: {  	[smem:$0x7FF] =	sst s2;
	s4 =	sshll.u32 s1, $0x4;
	s6 =	sshll.u32 s3, $0x3  }
0xb: {  	_ =	strace $0x8000004A;
	s23 =	ssub.s32 $0x2, s3;
	s3 =	sadd.s32 $0x47000, s0  }
0xc: {  	[dreg:$0x5] =	wrdreg s26;
	s26 =	simm.s32 $0x9880;
	s4 =	sor.u32 s6, s4  }
0xd: {  	s8 =	sshrl.u32 s23, $0x1;
	s7 =	sadd.s32 s4, s0;
	s9 =	smul.u32 $0x300, s4  }
0xe: {  	s6 =	ssub.s32 s23, s8;
	s4 =	sadd.s32 $0x47100, s0;
	s8 =	simm.s32 $0x80  }
0xf: {  	s23 =	simm.s32 $0x8080;
	s24 =	sadd.s32 $0x8800, s7;
	s6 =	smax.u32 s6, $0x1  }
0x10: {  	v2 =	vlaneseq.u32;
	s7 =	simm.s32 $0x2;
	[dreg:$0x3] =	wrdreg s24;
	s25 =	sadd.s32 s5, s9  }
0x11: {  	vm0 =	vmmov $0xffff;
	v1 =	vshrl.u32 v2, $0x3;
	s5 =	sadd.s32 $0x47200, s0;
	s9 =	simm.s32 $0x1080;
	s24 =	simm.s32 $0x8880  }
0x12: {  	v0 =	vand.u32 $0x7, v2;
	v2 =	vor.u32 $0x8, v2;
	v1 =	vmul.u32 $0x8, v1;
	s0 =	simm.s32 $0x1;
	[dreg:$0x4] =	wrdreg s25;
	s25 =	simm.s32 $0x9080  }
.LBB2_1:
0x13: {  	s1 =	rddreg [dreg:$0x3]  }
0x14: {  	[tilespmem:s2], [sflag:$0x2] =	stream.linear.gather [hbm4b:s1+s2], $0x40, $0x38;
	[tilespmem:$0xC080] =	vst v63  }
0x15: {  	_ =	swait.ge [sflag:s7], $0x40  }
0x16: {  	[sflag:s7] =	ssyncset.done $0x0  }
0x17: {  	[sflag:s7] =	ssyncadd.s32 $0xFFFFFFC0  }
0x18: {  	v3 =	vld [tilespmem:$0x0];
	_ =	sdelay $0x4  }
0x19: {  	v4 =	vshrl.u32 v3, $0x3  }
0x1a: {  	v4 =	vmul.u32 $0x30, v4  }
0x1b: {  	v3 =	vand.u32 $0x7, v3  }
0x1c: {  	v3 =	vor.u32 v3, v4  }
0x1d: {  	v4 =	vperm.xlane v3, v0;
	_ =	sdelay $0x1  }
0x1e: {  	v4 =	vadd.s32 v1, v4;
	_ =	sdelay $0x3  }
0x1f: {  	v3 =	vperm.xlane v3, v2  }
0x20: {  	[tilespmem:s8], [sflag:$0x1] =	stream.indirect_vreg.gather [hbm4b:s3+s2], $0x80, v4, vm0, $0xb8;
	[tilespmem:$0xC080] =	vst v63  }
0x21: {  	s1 =	rddreg [dreg:$0x5];
	v3 =	vadd.s32 v1, v3  }
0x22: {  	[tilespmem:s1], [sflag:$0x1] =	stream.indirect_vreg.gather [hbm4b:s4+s2], $0x80, v4, vm0, $0xb8;
	[tilespmem:$0xC080] =	vst v63  }
0x23: {  	_ = 	snop  }
0x24: {  	[tilespmem:s9], [sflag:$0x1] =	stream.indirect_vreg.gather [hbm4b:s5+s2], $0x80, v4, vm0, $0xb8;
	[tilespmem:$0xC080] =	vst v63  }
0x25: {  	_ = 	snop  }
0x26: {  	[tilespmem:s10], [sflag:$0x1] =	stream.indirect_vreg.gather [hbm4b:s3+s2], $0x80, v3, vm0, $0xb8;
	[tilespmem:$0xC080] =	vst v63  }
0x27: {  	_ = 	snop  }
0x28: {  	[tilespmem:s11], [sflag:$0x1] =	stream.indirect_vreg.gather [hbm4b:s4+s2], $0x80, v3, vm0, $0xb8;
	[tilespmem:$0xC080] =	vst v63  }
0x29: {  	_ = 	snop  }
0x2a: {  	[tilespmem:s12], [sflag:$0x1] =	stream.indirect_vreg.gather [hbm4b:s5+s2], $0x80, v3, vm0, $0xb8;
	[tilespmem:$0xC080] =	vst v63  }
0x2b: {  	v3 =	vld [tilespmem:$0x10];
	_ =	sdelay $0x4  }
0x2c: {  	v61 =	vshrl.u32 v3, $0x3  }
0x2d: {  	v4 =	vmul.u32 $0x30, v61  }
0x2e: {  	v3 =	vand.u32 $0x7, v3  }
0x2f: {  	v3 =	vor.u32 v3, v4  }
0x30: {  	v4 =	vperm.xlane v3, v0;
	_ =	sdelay $0x1  }
0x31: {  	v4 =	vadd.s32 v1, v4;
	_ =	sdelay $0x3  }
0x32: {  	v3 =	vperm.xlane v3, v2  }
0x33: {  	[tilespmem:s13], [sflag:$0x1] =	stream.indirect_vreg.gather [hbm4b:s3+s2], $0x80, v4, vm0, $0xb8;
	[tilespmem:$0xC080] =	vst v63  }
0x34: {  	v3 =	vadd.s32 v1, v3  }
0x35: {  	[tilespmem:s14], [sflag:$0x1] =	stream.indirect_vreg.gather [hbm4b:s4+s2], $0x80, v4, vm0, $0xb8;
	[tilespmem:$0xC080] =	vst v63  }
0x36: {  	_ = 	snop  }
0x37: {  	[tilespmem:s15], [sflag:$0x1] =	stream.indirect_vreg.gather [hbm4b:s5+s2], $0x80, v4, vm0, $0xb8;
	[tilespmem:$0xC080] =	vst v63  }
0x38: {  	_ = 	snop  }
0x39: {  	[tilespmem:s16], [sflag:$0x1] =	stream.indirect_vreg.gather [hbm4b:s3+s2], $0x80, v3, vm0, $0xb8;
	[tilespmem:$0xC080] =	vst v63  }
0x3a: {  	_ = 	snop  }
0x3b: {  	[tilespmem:s17], [sflag:$0x1] =	stream.indirect_vreg.gather [hbm4b:s4+s2], $0x80, v3, vm0, $0xb8;
	[tilespmem:$0xC080] =	vst v63  }
0x3c: {  	_ = 	snop  }
0x3d: {  	[tilespmem:s18], [sflag:$0x1] =	stream.indirect_vreg.gather [hbm4b:s5+s2], $0x80, v3, vm0, $0xb8;
	[tilespmem:$0xC080] =	vst v63  }
0x3e: {  	v3 =	vld [tilespmem:$0x20];
	_ =	sdelay $0x4  }
0x3f: {  	v62 =	vshrl.u32 v3, $0x3  }
0x40: {  	v4 =	vmul.u32 $0x30, v62  }
0x41: {  	v3 =	vand.u32 $0x7, v3  }
0x42: {  	v3 =	vor.u32 v3, v4  }
0x43: {  	v4 =	vperm.xlane v3, v0;
	_ =	sdelay $0x1  }
0x44: {  	v4 =	vadd.s32 v1, v4;
	_ =	sdelay $0x3  }
0x45: {  	v3 =	vperm.xlane v3, v2  }
0x46: {  	[tilespmem:s19], [sflag:$0x1] =	stream.indirect_vreg.gather [hbm4b:s3+s2], $0x80, v4, vm0, $0xb8;
	[tilespmem:$0xC080] =	vst v63  }
0x47: {  	v3 =	vadd.s32 v1, v3  }
0x48: {  	[tilespmem:s20], [sflag:$0x1] =	stream.indirect_vreg.gather [hbm4b:s4+s2], $0x80, v4, vm0, $0xb8;
	[tilespmem:$0xC080] =	vst v63  }
0x49: {  	_ = 	snop  }
0x4a: {  	[tilespmem:s21], [sflag:$0x1] =	stream.indirect_vreg.gather [hbm4b:s5+s2], $0x80, v4, vm0, $0xb8;
	[tilespmem:$0xC080] =	vst v63  }
0x4b: {  	_ = 	snop  }
0x4c: {  	[tilespmem:s22], [sflag:$0x1] =	stream.indirect_vreg.gather [hbm4b:s3+s2], $0x80, v3, vm0, $0xb8;
	[tilespmem:$0xC080] =	vst v63  }
0x4d: {  	_ = 	snop  }
0x4e: {  	[tilespmem:s23], [sflag:$0x1] =	stream.indirect_vreg.gather [hbm4b:s4+s2], $0x80, v3, vm0, $0xb8;
	[tilespmem:$0xC080] =	vst v63  }
0x4f: {  	_ = 	snop  }
0x50: {  	[tilespmem:s24], [sflag:$0x1] =	stream.indirect_vreg.gather [hbm4b:s5+s2], $0x80, v3, vm0, $0xb8;
	[tilespmem:$0xC080] =	vst v63  }
0x51: {  	v3 =	vld [tilespmem:$0x30];
	_ =	sdelay $0x4  }
0x52: {  	v63 =	vshrl.u32 v3, $0x3  }
0x53: {  	v4 =	vmul.u32 $0x30, v63  }
0x54: {  	v3 =	vand.u32 $0x7, v3  }
0x55: {  	v3 =	vor.u32 v3, v4  }
0x56: {  	v4 =	vperm.xlane v3, v0;
	_ =	sdelay $0x1  }
0x57: {  	v4 =	vadd.s32 v1, v4;
	_ =	sdelay $0x3  }
0x58: {  	v3 =	vperm.xlane v3, v2  }
0x59: {  	[tilespmem:s25], [sflag:$0x1] =	stream.indirect_vreg.gather [hbm4b:s3+s2], $0x80, v4, vm0, $0xb8;
	[tilespmem:$0xC080] =	vst v63  }
0x5a: {  	v3 =	vadd.s32 v1, v3  }
0x5b: {  	[tilespmem:s26], [sflag:$0x1] =	stream.indirect_vreg.gather [hbm4b:s4+s2], $0x80, v4, vm0, $0xb8;
	[tilespmem:$0xC080] =	vst v63  }
0x5c: {  	_ = 	snop  }
0x5d: {  	[tilespmem:s28], [sflag:$0x1] =	stream.indirect_vreg.gather [hbm4b:s5+s2], $0x80, v4, vm0, $0xb8;
	[tilespmem:$0xC080] =	vst v63  }
0x5e: {  	_ = 	snop  }
0x5f: {  	[tilespmem:s29], [sflag:$0x1] =	stream.indirect_vreg.gather [hbm4b:s3+s2], $0x80, v3, vm0, $0xb8;
	[tilespmem:$0xC080] =	vst v63  }
0x60: {  	_ = 	snop  }
0x61: {  	[tilespmem:s30], [sflag:$0x1] =	stream.indirect_vreg.gather [hbm4b:s4+s2], $0x80, v3, vm0, $0xb8;
	[tilespmem:$0xC080] =	vst v63  }
0x62: {  	_ = 	snop  }
0x63: {  	[tilespmem:s31], [sflag:$0x1] =	stream.indirect_vreg.gather [hbm4b:s5+s2], $0x80, v3, vm0, $0xb8;
	[tilespmem:$0xC080] =	vst v63  }
0x64: {  	_ =	swait.ge [sflag:s0], $0xC000  }
0x65: {  	p0 =	sne.s32 s6, $0x1;
	[sflag:s0] =	ssyncset.done $0x0  }
.Ltmp0:
0x66: {  	s1 =	rddreg [dreg:$0x4];
	[sflag:s0] =	ssyncadd.s32 $0xFFFF4000;
	(pc) =	sbr.rel @p0 .LBB2_1-.Ltmp0, $4  }
0x67: {  	[hbm4b:s1+s2] =	stream.linear.scatter [tilespmem:s8], [sflag:$0x2], $0xC000, $0x38;
	[tilespmem:$0xC080] =	vst v63  }
0x68: {  	_ =	swait.ge [sflag:s7], $0xC000  }
0x69: {  	[sflag:s7] =	ssyncset.done $0x0  }
0x6a: {  	s6 =	sadd.s32 $0xFFFFFFFF, s6;
	[sflag:s7] =	ssyncadd.s32 $0xFFFF4000  }
0x6b: {  	_ =	sfence.sel $0x180000  }
0x6c: {  	[bflag:$0x0] =	sbarrier.arrive $0xFFFF  }
0x6d: {  	_ =	strace $0x9000004A  }
0x6e: {  	s0 =	stileid.u32;
	[bflag:$0x2] =	sbarrier.arrive $0xFFFF  }
0x6f: {  	p0 =	sne.s32 s0, $0x0;
	s0 =	rddreg [dreg:$0x2]  }
0x70: {  	s0 =	sadd.s32 @!p0 $0x100000, s0  }
0x71: {  	[sflag:s0] =	ssyncadd.tile.s32 @!p0 $0x1;
	_ =	shalt  }
.Lfunc_end2:
_tile_overlayer_lowered:
.L_overlay_start_2:
0x72: {  	(tag) =	ssettag $0x2  }
0x73: {  	s0 =	rddreg [dreg:$0x0];
	s2 =	stileid.u32  }
0x74: {  	s1 =	rddreg [dreg:$0x1];
	p0 =	sne.s32 s2, $0x0  }
0x75: {  	s3 =	rddreg [dreg:$0x2];
	[bflag:$0x3] =	sbarrier.arrive $0xFFFF;
	s2 =	simm.s32 @!p0 $0x1C02  }
0x76: {  	[timem:s3], [sflag:s2] =	dma.local @!p0 [hbm:s0], s1  }
0x77: {  	s0 =	simm.s32 @!p0 $0x2  }
0x78: {  	_ =	swait.ge @!p0 [sflag:s0], s1  }
0x79: {  	s1 =	ssub.s32 @!p0 $0x0, s1;
	[sflag:s0] =	ssyncset.done @!p0 $0x0  }
0x7a: {  	[sflag:s0] =	ssyncadd.s32 @!p0 s1  }
0x7b: {  	[bflag:$0x3] =	sbarrier.arrive $0xFFFF  }
0x7c: {  	_ =	shalt  }

</sc_bundles>
